<compile_context>
chip_gen: v7x
topology: tpu7x:2x2x1
jax: 0.10.2.dev20260603
libtpu: 0.0.44.dev20260713+nightly
codegen_flags: <defaults>
</compile_context>

<pallas_src>
import base64
import functools

import numpy as np
import jax
import jax.numpy as jnp
from jax import lax
from jax.experimental import pallas as pl
from jax.experimental.pallas import tpu as pltpu
from jax.experimental.pallas import tpu_sc as plsc

_NINPUT = 8192
_NDOWN = 4096
_NC = 2
_NS = 16
_NW = _NC * _NS
_ROWS_W = _NDOWN // _NW
_JB = 8
_NB = _ROWS_W // _JB
_VECS = _NDOWN // 16

_IDX_BITMAP_B64 = (
    "edDcZUr6yuL6fyjpHYyF3vHYP72eTVK4pnbQj/fXz3fnDfCSeb6GKK+x3ta9D5bbguETgC58Ymp4"
    "ZAHiJuq4kB4p2KQxj3wR1DqbyJ6KVZMadlnfHAbcVl6bXs0P4BZuwW/vFMYc8vgZ43S4xiYEfXNC"
    "b1zVQnN5MNgDtbp2Sblowi4eXJXGU9QbiejP0P7zxS9RP1djPjqu49hclW9jGTujWThy33kknoHX"
    "onGmXPUB8vzmNK0nW9tqvJHKD02Q82Wsv5fNQTI2ta7EkMq0y8FEgq1bQAMPhUfOGNXtvSp7kC9P"
    "MYPv9MQz5xIwEAujeEcLYVd5MrKOy9c5xlDwCjEtG2iCpvywxRRHcBkPziECproVPxVNwPkeCj2s"
    "p1FzGvAmZfYW0/fW1tF/bjaqKK45AkiL5NZK9ax6jcUTirQDxfm/X0iv5Z8mqKW0NmMdRovOV0r6"
    "pKJ+YT0qmCqa2G6SNmml/zGkeQ6r/JM+9ueRoU6ZwAsGG39yw7sS3myqeu+gmzwyhObSw+IOOYiY"
    "3dFZvUiNpnqrntJvpwUfqsZ9zWE95Zg1Ux9WFcE2Iuck2LALxWLpbDaWUhHl7unVTIOtXlLn9F9M"
    "xT7rZO/EuEoDUO2vMr/GVT9NxWzHPCWDTDWujIIO3TVF6CRw99ylVTMBjK9I5iLqy9dZ3osFssoC"
    "wOF+d2gRfGvAZ60sTX9LaFUV8cYaXJ3mUVR9J4DQFAg+Q+l4FtiRhnqntnhO8KBIWF2R440FgK3M"
    "x7+kJWkvRpvESj+wgrByS5Kf/OCcz/SaMgih08oZBjBlwzXgyw39xFiGH5hD7Q6f/JtXt99i6e8O"
    "lwkaDO602FYUt8DMe/XTF1WyIkHCbdlCM3JKC7+JwRWog4VeHPmViAcDOIM5aTVJJBXynM4axOiS"
    "EHDfoiggqEztmnNRV4dYLXFONnG/YLqa6Q0jUDJshS4DwEMbN93JfjCRZMWi/MzBTp+uSdPUvCVK"
    "PjI9heUd+yFx7qwOGgCB6hPmzq1mEtxtUcUYHo9+mYSaOZICkxyzxXveGLhzOJxo/l+B6WRa1hYG"
    "arkx2l+syh4PVkHVAfMxBxDAP3glgphhQWSUKri5Q5O1R6MgXTe3pISf8hbS+SzCbQtV6hZR5m58"
    "n7GP7op/AbTKTj9d+YridXB0OSowWLLMBgKPMH+9kVzXiQGhs6qXZEwGM8zmGJCI3xZPATGNz/hA"
    "aYUBxm3MRQOL++0b/5xSn9gPdGRlBc1YPSzU5j/zJS+0qgtDYIel24Je48pNXPi1OHHxyI9V9i1q"
    "tqEfWL5dH5WykMPIKNhTM9iO+kGgaKTa923g6j/ShJfz1BPr9le5erUX84Ph4PprgGgvkSnfhQ=="
)

_IDX = np.nonzero(np.unpackbits(
    np.frombuffer(base64.b64decode(_IDX_BITMAP_B64), np.uint8)))[0].astype(np.int32)
assert _IDX.shape == (_NDOWN,)


_SLOTS = 4
_NBATCH = _ROWS_W // _SLOTS


def _sc_body(mts_hbm, idx_hbm, g_hbm, idx_v,
             ra0, ra1, ra2, ra3, rb0, rb1, rb2, rb3,
             g_a, g_b, sem_a, sem_b, gsem_a, gsem_b):
    w = lax.axis_index("s") * _NC + lax.axis_index("c")
    pltpu.sync_copy(idx_hbm, idx_v)
    iota = lax.iota(jnp.int32, 16)
    rows_a = (ra0, ra1, ra2, ra3)
    rows_b = (rb0, rb1, rb2, rb3)

    def row_index(j):
        jv = idx_v[pl.ds((j // 16) * 16, 16)]
        return jnp.sum(jnp.where(iota == (j % 16), jv, 0))

    def fire(b, rows, sem):
        for slot in range(_SLOTS):
            r = row_index(w * _ROWS_W + b * _SLOTS + slot)
            pltpu.async_copy(mts_hbm.at[r], rows[slot], sem)

    def drain_rows(rows, sem):
        for slot in range(_SLOTS):
            pltpu.make_async_copy(mts_hbm.at[0], rows[slot], sem).wait()

    def compute(rows, g):
        @plsc.parallel_loop(0, _VECS, 1, unroll=16)
        def _(iv):
            colv = idx_v[pl.ds(iv * 16, 16)]
            for slot in range(_SLOTS):
                g[slot, pl.ds(iv * 16, 16)] = plsc.load_gather(
                    rows[slot], [colv])

    def write_g(b, g, gsem):
        pltpu.async_copy(
            g, g_hbm.at[pl.ds(w * _ROWS_W + b * _SLOTS, _SLOTS)], gsem)

    def drain_g(g, gsem):
        pltpu.make_async_copy(g, g_hbm.at[pl.ds(0, _SLOTS)], gsem).wait()

    fire(0, rows_a, sem_a)

    def pair_body(k, carry):
        b0 = 2 * k
        b1 = 2 * k + 1
        drain_rows(rows_a, sem_a)
        fire(b1, rows_b, sem_b)

        @pl.when(k > 0)
        def _():
            drain_g(g_a, gsem_a)

        compute(rows_a, g_a)
        write_g(b0, g_a, gsem_a)

        drain_rows(rows_b, sem_b)

        @pl.when(b1 + 1 < _NBATCH)
        def _():
            fire(b1 + 1, rows_a, sem_a)

        @pl.when(k > 0)
        def _():
            drain_g(g_b, gsem_b)

        compute(rows_b, g_b)
        write_g(b1, g_b, gsem_b)
        return carry

    lax.fori_loop(0, _NBATCH // 2, pair_body, 0)
    drain_g(g_a, gsem_a)
    drain_g(g_b, gsem_b)


def _sc_gather(mts, idx_arr):
    mesh = plsc.VectorSubcoreMesh(core_axis_name="c", subcore_axis_name="s")
    run = functools.partial(
        pl.kernel,
        mesh=mesh,
        compiler_params=pltpu.CompilerParams(needs_layout_passes=False),
        out_type=jax.ShapeDtypeStruct((_NDOWN, _NDOWN), jnp.float32),
        scratch_types=(
            [pltpu.VMEM((_NDOWN,), jnp.int32)]
            + [pltpu.VMEM((_NINPUT,), jnp.float32)] * 8
            + [pltpu.VMEM((_SLOTS, _NDOWN), jnp.float32)] * 2
            + [pltpu.SemaphoreType.DMA] * 4
        ),
    )(_sc_body)
    return run(mts, idx_arr)


def _tc_transpose_body(g_ref, out_ref):
    out_ref[...] = g_ref[...].T


def _tc_transpose(g):
    bi, bj = 2048, 1024
    return pl.pallas_call(
        _tc_transpose_body,
        grid=(_NDOWN // bi, _NDOWN // bj),
        in_specs=[pl.BlockSpec((bj, bi), lambda i, j: (j, i))],
        out_specs=pl.BlockSpec((bi, bj), lambda i, j: (i, j)),
        out_shape=jax.ShapeDtypeStruct((_NDOWN, _NDOWN), jnp.float32),
    )(g)


def kernel(mts):
    idx_arr = jnp.asarray(_IDX)
    g = _sc_gather(mts, idx_arr)
    out = _tc_transpose(g)
    return (out, idx_arr.astype(jnp.int64))

# --- scband reference (transcript-rebuilt; emitter-appended) ---
"""Pipeline reference for scband-stochastic-pool-22926535426254 (READ-ONLY COPY).

The authoritative reference and input builder live on the scoring server;
editing this copy changes nothing except your own understanding.
"""

import jax, jax.numpy as jnp
import numpy as np

NINPUT = 8192
NDOWN = 4096


def setup_inputs(seed: int = 0) -> dict:
    key = jax.random.key(seed)
    mts = jax.random.normal(key, (NINPUT, NINPUT), dtype=jnp.float32)
    return {"mts": mts}


def reference(mts):
    # Faithful translation of StochasticPool.forward.
    # Original: np.random.choice(range(ninput), ndownsampling, replace=False), then sort.
    # We use a fixed JAX key so the index draw is deterministic/reproducible.
    mts = mts.reshape(mts.shape[0], mts.shape[1])
    idx = jnp.sort(
        jax.random.choice(jax.random.key(42), NINPUT, shape=(NDOWN,), replace=False)
    ).astype(jnp.int64)
    # mts[idx] gathers rows; .T transposes; [idx] gathers (original) columns.
    mts_downsampling = mts[idx].T[idx]
    return (mts_downsampling, idx)

if __name__ == "__main__":
    import jax
    _d = setup_inputs()
    print(jax.jit(kernel)(*tuple(_d.values())))

</pallas_src>

<mosaic_0001>
#map = affine_map<(d0, d1) -> (0, 0)>
#map1 = affine_map<(d0, d1) -> (0)>
module attributes {stable_mosaic.version = 14 : i64} {
  func.func @_sc_body(%arg0: i32, %arg1: i32, %arg2: memref<8192x8192xf32, #tpu.memory_space<hbm>>, %arg3: memref<4096xi32, #tpu.memory_space<hbm>>, %arg4: memref<4096x4096xf32, #tpu.memory_space<hbm>>, %arg5: memref<4096xi32, #tpu.memory_space<vmem>>, %arg6: memref<8192xf32, #tpu.memory_space<vmem>>, %arg7: memref<8192xf32, #tpu.memory_space<vmem>>, %arg8: memref<8192xf32, #tpu.memory_space<vmem>>, %arg9: memref<8192xf32, #tpu.memory_space<vmem>>, %arg10: memref<8192xf32, #tpu.memory_space<vmem>>, %arg11: memref<8192xf32, #tpu.memory_space<vmem>>, %arg12: memref<8192xf32, #tpu.memory_space<vmem>>, %arg13: memref<8192xf32, #tpu.memory_space<vmem>>, %arg14: memref<4x4096xf32, #tpu.memory_space<vmem>>, %arg15: memref<4x4096xf32, #tpu.memory_space<vmem>>, %arg16: memref<!tpu.dma_semaphore, #tpu.memory_space<semaphore_mem>>, %arg17: memref<!tpu.dma_semaphore, #tpu.memory_space<semaphore_mem>>, %arg18: memref<!tpu.dma_semaphore, #tpu.memory_space<semaphore_mem>>, %arg19: memref<!tpu.dma_semaphore, #tpu.memory_space<semaphore_mem>>) attributes {dimension_semantics = [#tpu.dimension_semantics<core_parallel>, #tpu.dimension_semantics<subcore_parallel>], iteration_bounds = array<i64: 2, 16>, scalar_prefetch = 0 : i64, scratch_operands = 15 : i64, tpu.core_type = #tpu.core_type<sc_vector_subcore>, window_params = [{transform_indices = #map}, {transform_indices = #map1}, {transform_indices = #map}]} {
    %mul3A = arith.constant 2 : i32
    %mul3A_0 = arith.muli %arg1, %mul3A : i32
    %add3A = arith.addi %mul3A_0, %arg0 : i32
    "tpu.region"() ({
      %run_scoped3A = tpu.sem_alloc : memref<!tpu.dma_semaphore, #tpu.memory_space<semaphore_mem>>
      tpu.enqueue_dma source(%arg3 : memref<4096xi32, #tpu.memory_space<hbm>>) target(%arg5 : memref<4096xi32, #tpu.memory_space<vmem>>) target_semaphore(%run_scoped3A : memref<!tpu.dma_semaphore, #tpu.memory_space<semaphore_mem>>)
      tpu.wait_dma2 semaphore(%run_scoped3A : memref<!tpu.dma_semaphore, #tpu.memory_space<semaphore_mem>>) src(%arg3 : memref<4096xi32, #tpu.memory_space<hbm>>) dst(%arg5 : memref<4096xi32, #tpu.memory_space<vmem>>)
      tpu.yield
    }) : () -> ()
    %iota3A = tpu.iota {dimensions = array<i32: 0>} : vector<16xi32>
    %mul3A_1 = arith.constant 128 : i32
    %mul3A_2 = arith.muli %add3A, %mul3A_1 : i32
    %add3A_3 = arith.constant 0 : i32
    %add3A_4 = arith.addi %mul3A_2, %add3A_3 : i32
    %add3A_5 = arith.constant 0 : i32
    %add3A_6 = arith.addi %add3A_4, %add3A_5 : i32
    %jit3A = arith.constant 16 : i32
    %div3A = arith.divsi %add3A_6, %jit3A : i32
    %sign3A = arith.constant 0 : i32
    %sign3A_7 = arith.cmpi sgt, %add3A_6, %sign3A : i32
    %sign3A_8 = arith.extui %sign3A_7 : i1 to i32
    %sign3A_9 = arith.constant 0 : i32
    %sign3A_10 = arith.cmpi slt, %add3A_6, %sign3A_9 : i32
    %sign3A_11 = arith.extui %sign3A_10 : i1 to i32
    %sign3A_12 = arith.subi %sign3A_8, %sign3A_11 : i32
    %sign3A_13 = arith.constant 0 : i32
    %sign3A_14 = arith.cmpi sgt, %jit3A, %sign3A_13 : i32
    %sign3A_15 = arith.extui %sign3A_14 : i1 to i32
    %sign3A_16 = arith.constant 0 : i32
    %sign3A_17 = arith.cmpi slt, %jit3A, %sign3A_16 : i32
    %sign3A_18 = arith.extui %sign3A_17 : i1 to i32
    %sign3A_19 = arith.subi %sign3A_15, %sign3A_18 : i32
    %ne3A = arith.cmpi ne, %sign3A_12, %sign3A_19 : i32
    %rem3A = arith.remsi %add3A_6, %jit3A : i32
    %ne3A_20 = arith.constant 0 : i32
    %ne3A_21 = arith.cmpi ne, %rem3A, %ne3A_20 : i32
    %and3A = arith.andi %ne3A, %ne3A_21 : i1
    %sub3A = arith.constant 1 : i32
    %sub3A_22 = arith.subi %div3A, %sub3A : i32
    %select_n3A = arith.select %and3A, %sub3A_22, %div3A : i32
    %mul3A_23 = arith.constant 16 : i32
    %mul3A_24 = arith.muli %select_n3A, %mul3A_23 : i32
    %get3A = arith.index_cast %mul3A_24 : i32 to index
    %get3A_25 = tpu.vector_load %arg5[%get3A] {strides = array<i32>} : memref<4096xi32, #tpu.memory_space<vmem>>, vector<16xi32>,
    %jit3A_26 = arith.constant 16 : i32
    %eq3A = arith.constant 0 : i32
    %eq3A_27 = arith.cmpi eq, %jit3A_26, %eq3A : i32
    %jit3A_28 = arith.constant 1 : i32
    %select_n3A_29 = arith.select %eq3A_27, %jit3A_28, %jit3A_26 : i32
    %rem3A_30 = arith.remsi %add3A_6, %select_n3A_29 : i32
    %ne3A_31 = arith.constant 0 : i32
    %ne3A_32 = arith.cmpi ne, %rem3A_30, %ne3A_31 : i32
    %lt3A = arith.constant 0 : i32
    %lt3A_33 = arith.cmpi slt, %rem3A_30, %lt3A : i32
    %lt3A_34 = arith.constant 0 : i32
    %lt3A_35 = arith.cmpi slt, %select_n3A_29, %lt3A_34 : i32
    %ne3A_36 = arith.xori %lt3A_33, %lt3A_35 : i1
    %and3A_37 = arith.andi %ne3A_36, %ne3A_32 : i1
    %add3A_38 = arith.addi %rem3A_30, %select_n3A_29 : i32
    %select_n3A_39 = arith.select %and3A_37, %add3A_38, %rem3A_30 : i32
    %eq3A_40 = vector.broadcast %select_n3A_39 : i32 to vector<16xi32>
    %eq3A_41 = arith.cmpi eq, %iota3A, %eq3A_40 : vector<16xi32>
    %jit3A_42 = arith.constant 0 : i32
    %broadcast_in_dim3A = vector.broadcast %jit3A_42 : i32 to vector<16xi32>
    %select_n3A_43 = arith.select %eq3A_41, %get3A_25, %broadcast_in_dim3A : vector<16xi1>, vector<16xi32>
    %reduce_sum3A = arith.constant true
    %reduce_sum3A_44 = vector.broadcast %reduce_sum3A : i1 to vector<16xi1>
    %reduce_sum3A_45 = tpu.scan <sum>, %select_n3A_43 masked %reduce_sum3A_44 : vector<16xi32>, vector<16xi1> -> vector<16xi32>
    %reduce_sum3A_46 = vector.extract %reduce_sum3A_45[15] : i32 from vector<16xi32>
    %dma_start3A = arith.constant 0 : i32
    %dma_start3A_47 = tpu.memref_slice %arg2[%reduce_sum3A_46, %dma_start3A] : memref<8192x8192xf32, #tpu.memory_space<hbm>> -> memref<1x8192xf32, #tpu.memory_space<hbm>>
    %dma_start3A_48 = tpu.memref_squeeze %dma_start3A_47 : memref<1x8192xf32, #tpu.memory_space<hbm>> -> memref<8192xf32, #tpu.memory_space<hbm>>
    %dma_start3A_49 = arith.constant 0 : i32
    %dma_start3A_50 = tpu.memref_slice %arg2[%reduce_sum3A_46, %dma_start3A_49] : memref<8192x8192xf32, #tpu.memory_space<hbm>> -> memref<1x8192xf32, #tpu.memory_space<hbm>>
    %dma_start3A_51 = tpu.memref_squeeze %dma_start3A_50 : memref<1x8192xf32, #tpu.memory_space<hbm>> -> memref<8192xf32, #tpu.memory_space<hbm>>
    tpu.enqueue_dma source(%dma_start3A_51 : memref<8192xf32, #tpu.memory_space<hbm>>) target(%arg6 : memref<8192xf32, #tpu.memory_space<vmem>>) target_semaphore(%arg16 : memref<!tpu.dma_semaphore, #tpu.memory_space<semaphore_mem>>)
    %mul3A_52 = arith.constant 128 : i32
    %mul3A_53 = arith.muli %add3A, %mul3A_52 : i32
    %add3A_54 = arith.constant 0 : i32
    %add3A_55 = arith.addi %mul3A_53, %add3A_54 : i32
    %add3A_56 = arith.constant 1 : i32
    %add3A_57 = arith.addi %add3A_55, %add3A_56 : i32
    %jit3A_58 = arith.constant 16 : i32
    %div3A_59 = arith.divsi %add3A_57, %jit3A_58 : i32
    %sign3A_60 = arith.constant 0 : i32
    %sign3A_61 = arith.cmpi sgt, %add3A_57, %sign3A_60 : i32
    %sign3A_62 = arith.extui %sign3A_61 : i1 to i32
    %sign3A_63 = arith.constant 0 : i32
    %sign3A_64 = arith.cmpi slt, %add3A_57, %sign3A_63 : i32
    %sign3A_65 = arith.extui %sign3A_64 : i1 to i32
    %sign3A_66 = arith.subi %sign3A_62, %sign3A_65 : i32
    %sign3A_67 = arith.constant 0 : i32
    %sign3A_68 = arith.cmpi sgt, %jit3A_58, %sign3A_67 : i32
    %sign3A_69 = arith.extui %sign3A_68 : i1 to i32
    %sign3A_70 = arith.constant 0 : i32
    %sign3A_71 = arith.cmpi slt, %jit3A_58, %sign3A_70 : i32
    %sign3A_72 = arith.extui %sign3A_71 : i1 to i32
    %sign3A_73 = arith.subi %sign3A_69, %sign3A_72 : i32
    %ne3A_74 = arith.cmpi ne, %sign3A_66, %sign3A_73 : i32
    %rem3A_75 = arith.remsi %add3A_57, %jit3A_58 : i32
    %ne3A_76 = arith.constant 0 : i32
    %ne3A_77 = arith.cmpi ne, %rem3A_75, %ne3A_76 : i32
    %and3A_78 = arith.andi %ne3A_74, %ne3A_77 : i1
    %sub3A_79 = arith.constant 1 : i32
    %sub3A_80 = arith.subi %div3A_59, %sub3A_79 : i32
    %select_n3A_81 = arith.select %and3A_78, %sub3A_80, %div3A_59 : i32
    %mul3A_82 = arith.constant 16 : i32
    %mul3A_83 = arith.muli %select_n3A_81, %mul3A_82 : i32
    %get3A_84 = arith.index_cast %mul3A_83 : i32 to index
    %get3A_85 = tpu.vector_load %arg5[%get3A_84] {strides = array<i32>} : memref<4096xi32, #tpu.memory_space<vmem>>, vector<16xi32>,
    %jit3A_86 = arith.constant 16 : i32
    %eq3A_87 = arith.constant 0 : i32
    %eq3A_88 = arith.cmpi eq, %jit3A_86, %eq3A_87 : i32
    %jit3A_89 = arith.constant 1 : i32
    %select_n3A_90 = arith.select %eq3A_88, %jit3A_89, %jit3A_86 : i32
    %rem3A_91 = arith.remsi %add3A_57, %select_n3A_90 : i32
    %ne3A_92 = arith.constant 0 : i32
    %ne3A_93 = arith.cmpi ne, %rem3A_91, %ne3A_92 : i32
    %lt3A_94 = arith.constant 0 : i32
    %lt3A_95 = arith.cmpi slt, %rem3A_91, %lt3A_94 : i32
    %lt3A_96 = arith.constant 0 : i32
    %lt3A_97 = arith.cmpi slt, %select_n3A_90, %lt3A_96 : i32
    %ne3A_98 = arith.xori %lt3A_95, %lt3A_97 : i1
    %and3A_99 = arith.andi %ne3A_98, %ne3A_93 : i1
    %add3A_100 = arith.addi %rem3A_91, %select_n3A_90 : i32
    %select_n3A_101 = arith.select %and3A_99, %add3A_100, %rem3A_91 : i32
    %eq3A_102 = vector.broadcast %select_n3A_101 : i32 to vector<16xi32>
    %eq3A_103 = arith.cmpi eq, %iota3A, %eq3A_102 : vector<16xi32>
    %jit3A_104 = arith.constant 0 : i32
    %broadcast_in_dim3A_105 = vector.broadcast %jit3A_104 : i32 to vector<16xi32>
    %select_n3A_106 = arith.select %eq3A_103, %get3A_85, %broadcast_in_dim3A_105 : vector<16xi1>, vector<16xi32>
    %reduce_sum3A_107 = arith.constant true
    %reduce_sum3A_108 = vector.broadcast %reduce_sum3A_107 : i1 to vector<16xi1>
    %reduce_sum3A_109 = tpu.scan <sum>, %select_n3A_106 masked %reduce_sum3A_108 : vector<16xi32>, vector<16xi1> -> vector<16xi32>
    %reduce_sum3A_110 = vector.extract %reduce_sum3A_109[15] : i32 from vector<16xi32>
    %dma_start3A_111 = arith.constant 0 : i32
    %dma_start3A_112 = tpu.memref_slice %arg2[%reduce_sum3A_110, %dma_start3A_111] : memref<8192x8192xf32, #tpu.memory_space<hbm>> -> memref<1x8192xf32, #tpu.memory_space<hbm>>
    %dma_start3A_113 = tpu.memref_squeeze %dma_start3A_112 : memref<1x8192xf32, #tpu.memory_space<hbm>> -> memref<8192xf32, #tpu.memory_space<hbm>>
    %dma_start3A_114 = arith.constant 0 : i32
    %dma_start3A_115 = tpu.memref_slice %arg2[%reduce_sum3A_110, %dma_start3A_114] : memref<8192x8192xf32, #tpu.memory_space<hbm>> -> memref<1x8192xf32, #tpu.memory_space<hbm>>
    %dma_start3A_116 = tpu.memref_squeeze %dma_start3A_115 : memref<1x8192xf32, #tpu.memory_space<hbm>> -> memref<8192xf32, #tpu.memory_space<hbm>>
    tpu.enqueue_dma source(%dma_start3A_116 : memref<8192xf32, #tpu.memory_space<hbm>>) target(%arg7 : memref<8192xf32, #tpu.memory_space<vmem>>) target_semaphore(%arg16 : memref<!tpu.dma_semaphore, #tpu.memory_space<semaphore_mem>>)
    %mul3A_117 = arith.constant 128 : i32
    %mul3A_118 = arith.muli %add3A, %mul3A_117 : i32
    %add3A_119 = arith.constant 0 : i32
    %add3A_120 = arith.addi %mul3A_118, %add3A_119 : i32
    %add3A_121 = arith.constant 2 : i32
    %add3A_122 = arith.addi %add3A_120, %add3A_121 : i32
    %jit3A_123 = arith.constant 16 : i32
    %div3A_124 = arith.divsi %add3A_122, %jit3A_123 : i32
    %sign3A_125 = arith.constant 0 : i32
    %sign3A_126 = arith.cmpi sgt, %add3A_122, %sign3A_125 : i32
    %sign3A_127 = arith.extui %sign3A_126 : i1 to i32
    %sign3A_128 = arith.constant 0 : i32
    %sign3A_129 = arith.cmpi slt, %add3A_122, %sign3A_128 : i32
    %sign3A_130 = arith.extui %sign3A_129 : i1 to i32
    %sign3A_131 = arith.subi %sign3A_127, %sign3A_130 : i32
    %sign3A_132 = arith.constant 0 : i32
    %sign3A_133 = arith.cmpi sgt, %jit3A_123, %sign3A_132 : i32
    %sign3A_134 = arith.extui %sign3A_133 : i1 to i32
    %sign3A_135 = arith.constant 0 : i32
    %sign3A_136 = arith.cmpi slt, %jit3A_123, %sign3A_135 : i32
    %sign3A_137 = arith.extui %sign3A_136 : i1 to i32
    %sign3A_138 = arith.subi %sign3A_134, %sign3A_137 : i32
    %ne3A_139 = arith.cmpi ne, %sign3A_131, %sign3A_138 : i32
    %rem3A_140 = arith.remsi %add3A_122, %jit3A_123 : i32
    %ne3A_141 = arith.constant 0 : i32
    %ne3A_142 = arith.cmpi ne, %rem3A_140, %ne3A_141 : i32
    %and3A_143 = arith.andi %ne3A_139, %ne3A_142 : i1
    %sub3A_144 = arith.constant 1 : i32
    %sub3A_145 = arith.subi %div3A_124, %sub3A_144 : i32
    %select_n3A_146 = arith.select %and3A_143, %sub3A_145, %div3A_124 : i32
    %mul3A_147 = arith.constant 16 : i32
    %mul3A_148 = arith.muli %select_n3A_146, %mul3A_147 : i32
    %get3A_149 = arith.index_cast %mul3A_148 : i32 to index
    %get3A_150 = tpu.vector_load %arg5[%get3A_149] {strides = array<i32>} : memref<4096xi32, #tpu.memory_space<vmem>>, vector<16xi32>,
    %jit3A_151 = arith.constant 16 : i32
    %eq3A_152 = arith.constant 0 : i32
    %eq3A_153 = arith.cmpi eq, %jit3A_151, %eq3A_152 : i32
    %jit3A_154 = arith.constant 1 : i32
    %select_n3A_155 = arith.select %eq3A_153, %jit3A_154, %jit3A_151 : i32
    %rem3A_156 = arith.remsi %add3A_122, %select_n3A_155 : i32
    %ne3A_157 = arith.constant 0 : i32
    %ne3A_158 = arith.cmpi ne, %rem3A_156, %ne3A_157 : i32
    %lt3A_159 = arith.constant 0 : i32
    %lt3A_160 = arith.cmpi slt, %rem3A_156, %lt3A_159 : i32
    %lt3A_161 = arith.constant 0 : i32
    %lt3A_162 = arith.cmpi slt, %select_n3A_155, %lt3A_161 : i32
    %ne3A_163 = arith.xori %lt3A_160, %lt3A_162 : i1
    %and3A_164 = arith.andi %ne3A_163, %ne3A_158 : i1
    %add3A_165 = arith.addi %rem3A_156, %select_n3A_155 : i32
    %select_n3A_166 = arith.select %and3A_164, %add3A_165, %rem3A_156 : i32
    %eq3A_167 = vector.broadcast %select_n3A_166 : i32 to vector<16xi32>
    %eq3A_168 = arith.cmpi eq, %iota3A, %eq3A_167 : vector<16xi32>
    %jit3A_169 = arith.constant 0 : i32
    %broadcast_in_dim3A_170 = vector.broadcast %jit3A_169 : i32 to vector<16xi32>
    %select_n3A_171 = arith.select %eq3A_168, %get3A_150, %broadcast_in_dim3A_170 : vector<16xi1>, vector<16xi32>
    %reduce_sum3A_172 = arith.constant true
    %reduce_sum3A_173 = vector.broadcast %reduce_sum3A_172 : i1 to vector<16xi1>
    %reduce_sum3A_174 = tpu.scan <sum>, %select_n3A_171 masked %reduce_sum3A_173 : vector<16xi32>, vector<16xi1> -> vector<16xi32>
    %reduce_sum3A_175 = vector.extract %reduce_sum3A_174[15] : i32 from vector<16xi32>
    %dma_start3A_176 = arith.constant 0 : i32
    %dma_start3A_177 = tpu.memref_slice %arg2[%reduce_sum3A_175, %dma_start3A_176] : memref<8192x8192xf32, #tpu.memory_space<hbm>> -> memref<1x8192xf32, #tpu.memory_space<hbm>>
    %dma_start3A_178 = tpu.memref_squeeze %dma_start3A_177 : memref<1x8192xf32, #tpu.memory_space<hbm>> -> memref<8192xf32, #tpu.memory_space<hbm>>
    %dma_start3A_179 = arith.constant 0 : i32
    %dma_start3A_180 = tpu.memref_slice %arg2[%reduce_sum3A_175, %dma_start3A_179] : memref<8192x8192xf32, #tpu.memory_space<hbm>> -> memref<1x8192xf32, #tpu.memory_space<hbm>>
    %dma_start3A_181 = tpu.memref_squeeze %dma_start3A_180 : memref<1x8192xf32, #tpu.memory_space<hbm>> -> memref<8192xf32, #tpu.memory_space<hbm>>
    tpu.enqueue_dma source(%dma_start3A_181 : memref<8192xf32, #tpu.memory_space<hbm>>) target(%arg8 : memref<8192xf32, #tpu.memory_space<vmem>>) target_semaphore(%arg16 : memref<!tpu.dma_semaphore, #tpu.memory_space<semaphore_mem>>)
    %mul3A_182 = arith.constant 128 : i32
    %mul3A_183 = arith.muli %add3A, %mul3A_182 : i32
    %add3A_184 = arith.constant 0 : i32
    %add3A_185 = arith.addi %mul3A_183, %add3A_184 : i32
    %add3A_186 = arith.constant 3 : i32
    %add3A_187 = arith.addi %add3A_185, %add3A_186 : i32
    %jit3A_188 = arith.constant 16 : i32
    %div3A_189 = arith.divsi %add3A_187, %jit3A_188 : i32
    %sign3A_190 = arith.constant 0 : i32
    %sign3A_191 = arith.cmpi sgt, %add3A_187, %sign3A_190 : i32
    %sign3A_192 = arith.extui %sign3A_191 : i1 to i32
    %sign3A_193 = arith.constant 0 : i32
    %sign3A_194 = arith.cmpi slt, %add3A_187, %sign3A_193 : i32
    %sign3A_195 = arith.extui %sign3A_194 : i1 to i32
    %sign3A_196 = arith.subi %sign3A_192, %sign3A_195 : i32
    %sign3A_197 = arith.constant 0 : i32
    %sign3A_198 = arith.cmpi sgt, %jit3A_188, %sign3A_197 : i32
    %sign3A_199 = arith.extui %sign3A_198 : i1 to i32
    %sign3A_200 = arith.constant 0 : i32
    %sign3A_201 = arith.cmpi slt, %jit3A_188, %sign3A_200 : i32
    %sign3A_202 = arith.extui %sign3A_201 : i1 to i32
    %sign3A_203 = arith.subi %sign3A_199, %sign3A_202 : i32
    %ne3A_204 = arith.cmpi ne, %sign3A_196, %sign3A_203 : i32
    %rem3A_205 = arith.remsi %add3A_187, %jit3A_188 : i32
    %ne3A_206 = arith.constant 0 : i32
    %ne3A_207 = arith.cmpi ne, %rem3A_205, %ne3A_206 : i32
    %and3A_208 = arith.andi %ne3A_204, %ne3A_207 : i1
    %sub3A_209 = arith.constant 1 : i32
    %sub3A_210 = arith.subi %div3A_189, %sub3A_209 : i32
    %select_n3A_211 = arith.select %and3A_208, %sub3A_210, %div3A_189 : i32
    %mul3A_212 = arith.constant 16 : i32
    %mul3A_213 = arith.muli %select_n3A_211, %mul3A_212 : i32
    %get3A_214 = arith.index_cast %mul3A_213 : i32 to index
    %get3A_215 = tpu.vector_load %arg5[%get3A_214] {strides = array<i32>} : memref<4096xi32, #tpu.memory_space<vmem>>, vector<16xi32>,
    %jit3A_216 = arith.constant 16 : i32
    %eq3A_217 = arith.constant 0 : i32
    %eq3A_218 = arith.cmpi eq, %jit3A_216, %eq3A_217 : i32
    %jit3A_219 = arith.constant 1 : i32
    %select_n3A_220 = arith.select %eq3A_218, %jit3A_219, %jit3A_216 : i32
    %rem3A_221 = arith.remsi %add3A_187, %select_n3A_220 : i32
    %ne3A_222 = arith.constant 0 : i32
    %ne3A_223 = arith.cmpi ne, %rem3A_221, %ne3A_222 : i32
    %lt3A_224 = arith.constant 0 : i32
    %lt3A_225 = arith.cmpi slt, %rem3A_221, %lt3A_224 : i32
    %lt3A_226 = arith.constant 0 : i32
    %lt3A_227 = arith.cmpi slt, %select_n3A_220, %lt3A_226 : i32
    %ne3A_228 = arith.xori %lt3A_225, %lt3A_227 : i1
    %and3A_229 = arith.andi %ne3A_228, %ne3A_223 : i1
    %add3A_230 = arith.addi %rem3A_221, %select_n3A_220 : i32
    %select_n3A_231 = arith.select %and3A_229, %add3A_230, %rem3A_221 : i32
    %eq3A_232 = vector.broadcast %select_n3A_231 : i32 to vector<16xi32>
    %eq3A_233 = arith.cmpi eq, %iota3A, %eq3A_232 : vector<16xi32>
    %jit3A_234 = arith.constant 0 : i32
    %broadcast_in_dim3A_235 = vector.broadcast %jit3A_234 : i32 to vector<16xi32>
    %select_n3A_236 = arith.select %eq3A_233, %get3A_215, %broadcast_in_dim3A_235 : vector<16xi1>, vector<16xi32>
    %reduce_sum3A_237 = arith.constant true
    %reduce_sum3A_238 = vector.broadcast %reduce_sum3A_237 : i1 to vector<16xi1>
    %reduce_sum3A_239 = tpu.scan <sum>, %select_n3A_236 masked %reduce_sum3A_238 : vector<16xi32>, vector<16xi1> -> vector<16xi32>
    %reduce_sum3A_240 = vector.extract %reduce_sum3A_239[15] : i32 from vector<16xi32>
    %dma_start3A_241 = arith.constant 0 : i32
    %dma_start3A_242 = tpu.memref_slice %arg2[%reduce_sum3A_240, %dma_start3A_241] : memref<8192x8192xf32, #tpu.memory_space<hbm>> -> memref<1x8192xf32, #tpu.memory_space<hbm>>
    %dma_start3A_243 = tpu.memref_squeeze %dma_start3A_242 : memref<1x8192xf32, #tpu.memory_space<hbm>> -> memref<8192xf32, #tpu.memory_space<hbm>>
    %dma_start3A_244 = arith.constant 0 : i32
    %dma_start3A_245 = tpu.memref_slice %arg2[%reduce_sum3A_240, %dma_start3A_244] : memref<8192x8192xf32, #tpu.memory_space<hbm>> -> memref<1x8192xf32, #tpu.memory_space<hbm>>
    %dma_start3A_246 = tpu.memref_squeeze %dma_start3A_245 : memref<1x8192xf32, #tpu.memory_space<hbm>> -> memref<8192xf32, #tpu.memory_space<hbm>>
    tpu.enqueue_dma source(%dma_start3A_246 : memref<8192xf32, #tpu.memory_space<hbm>>) target(%arg9 : memref<8192xf32, #tpu.memory_space<vmem>>) target_semaphore(%arg16 : memref<!tpu.dma_semaphore, #tpu.memory_space<semaphore_mem>>)
    %scan3A = arith.constant 0 : i32
    %scan3A_247 = arith.constant 0 : i32
    %scan3A_248 = arith.constant 16 : i32
    %scan3A_249 = arith.addi %scan3A_247, %scan3A_248 : i32
    %scan3A_250 = arith.constant 1 : i32
    scf.for %scan3A_263 = %scan3A_247 to %scan3A_249 step %scan3A_250  : i32 {
      %mul3A_264 = arith.constant 2 : i32
      %mul3A_265 = arith.muli %mul3A_264, %scan3A_263 : i32
      %mul3A_266 = arith.constant 2 : i32
      %mul3A_267 = arith.muli %mul3A_266, %scan3A_263 : i32
      %add3A_268 = arith.constant 1 : i32
      %add3A_269 = arith.addi %mul3A_267, %add3A_268 : i32
      %dma_wait3A_270 = arith.constant 0 : i32
      %dma_wait3A_271 = arith.constant 0 : i32
      %dma_wait3A_272 = tpu.memref_slice %arg2[%dma_wait3A_270, %dma_wait3A_271] : memref<8192x8192xf32, #tpu.memory_space<hbm>> -> memref<1x8192xf32, #tpu.memory_space<hbm>>
      %dma_wait3A_273 = tpu.memref_squeeze %dma_wait3A_272 : memref<1x8192xf32, #tpu.memory_space<hbm>> -> memref<8192xf32, #tpu.memory_space<hbm>>
      %dma_wait3A_274 = arith.constant 0 : i32
      %dma_wait3A_275 = tpu.memref_slice %arg2[%dma_wait3A_270, %dma_wait3A_274] : memref<8192x8192xf32, #tpu.memory_space<hbm>> -> memref<1x8192xf32, #tpu.memory_space<hbm>>
      %dma_wait3A_276 = tpu.memref_squeeze %dma_wait3A_275 : memref<1x8192xf32, #tpu.memory_space<hbm>> -> memref<8192xf32, #tpu.memory_space<hbm>>
      tpu.wait_dma2 semaphore(%arg16 : memref<!tpu.dma_semaphore, #tpu.memory_space<semaphore_mem>>) src(%dma_wait3A_276 : memref<8192xf32, #tpu.memory_space<hbm>>) dst(%arg6 : memref<8192xf32, #tpu.memory_space<vmem>>)
      %dma_wait3A_277 = arith.constant 0 : i32
      %dma_wait3A_278 = arith.constant 0 : i32
      %dma_wait3A_279 = tpu.memref_slice %arg2[%dma_wait3A_277, %dma_wait3A_278] : memref<8192x8192xf32, #tpu.memory_space<hbm>> -> memref<1x8192xf32, #tpu.memory_space<hbm>>
      %dma_wait3A_280 = tpu.memref_squeeze %dma_wait3A_279 : memref<1x8192xf32, #tpu.memory_space<hbm>> -> memref<8192xf32, #tpu.memory_space<hbm>>
      %dma_wait3A_281 = arith.constant 0 : i32
      %dma_wait3A_282 = tpu.memref_slice %arg2[%dma_wait3A_277, %dma_wait3A_281] : memref<8192x8192xf32, #tpu.memory_space<hbm>> -> memref<1x8192xf32, #tpu.memory_space<hbm>>
      %dma_wait3A_283 = tpu.memref_squeeze %dma_wait3A_282 : memref<1x8192xf32, #tpu.memory_space<hbm>> -> memref<8192xf32, #tpu.memory_space<hbm>>
      tpu.wait_dma2 semaphore(%arg16 : memref<!tpu.dma_semaphore, #tpu.memory_space<semaphore_mem>>) src(%dma_wait3A_283 : memref<8192xf32, #tpu.memory_space<hbm>>) dst(%arg7 : memref<8192xf32, #tpu.memory_space<vmem>>)
      %dma_wait3A_284 = arith.constant 0 : i32
      %dma_wait3A_285 = arith.constant 0 : i32
      %dma_wait3A_286 = tpu.memref_slice %arg2[%dma_wait3A_284, %dma_wait3A_285] : memref<8192x8192xf32, #tpu.memory_space<hbm>> -> memref<1x8192xf32, #tpu.memory_space<hbm>>
      %dma_wait3A_287 = tpu.memref_squeeze %dma_wait3A_286 : memref<1x8192xf32, #tpu.memory_space<hbm>> -> memref<8192xf32, #tpu.memory_space<hbm>>
      %dma_wait3A_288 = arith.constant 0 : i32
      %dma_wait3A_289 = tpu.memref_slice %arg2[%dma_wait3A_284, %dma_wait3A_288] : memref<8192x8192xf32, #tpu.memory_space<hbm>> -> memref<1x8192xf32, #tpu.memory_space<hbm>>
      %dma_wait3A_290 = tpu.memref_squeeze %dma_wait3A_289 : memref<1x8192xf32, #tpu.memory_space<hbm>> -> memref<8192xf32, #tpu.memory_space<hbm>>
      tpu.wait_dma2 semaphore(%arg16 : memref<!tpu.dma_semaphore, #tpu.memory_space<semaphore_mem>>) src(%dma_wait3A_290 : memref<8192xf32, #tpu.memory_space<hbm>>) dst(%arg8 : memref<8192xf32, #tpu.memory_space<vmem>>)
      %dma_wait3A_291 = arith.constant 0 : i32
      %dma_wait3A_292 = arith.constant 0 : i32
      %dma_wait3A_293 = tpu.memref_slice %arg2[%dma_wait3A_291, %dma_wait3A_292] : memref<8192x8192xf32, #tpu.memory_space<hbm>> -> memref<1x8192xf32, #tpu.memory_space<hbm>>
      %dma_wait3A_294 = tpu.memref_squeeze %dma_wait3A_293 : memref<1x8192xf32, #tpu.memory_space<hbm>> -> memref<8192xf32, #tpu.memory_space<hbm>>
      %dma_wait3A_295 = arith.constant 0 : i32
      %dma_wait3A_296 = tpu.memref_slice %arg2[%dma_wait3A_291, %dma_wait3A_295] : memref<8192x8192xf32, #tpu.memory_space<hbm>> -> memref<1x8192xf32, #tpu.memory_space<hbm>>
      %dma_wait3A_297 = tpu.memref_squeeze %dma_wait3A_296 : memref<1x8192xf32, #tpu.memory_space<hbm>> -> memref<8192xf32, #tpu.memory_space<hbm>>
      tpu.wait_dma2 semaphore(%arg16 : memref<!tpu.dma_semaphore, #tpu.memory_space<semaphore_mem>>) src(%dma_wait3A_297 : memref<8192xf32, #tpu.memory_space<hbm>>) dst(%arg9 : memref<8192xf32, #tpu.memory_space<vmem>>)
      %mul3A_298 = arith.constant 128 : i32
      %mul3A_299 = arith.muli %add3A, %mul3A_298 : i32
      %mul3A_300 = arith.constant 4 : i32
      %mul3A_301 = arith.muli %add3A_269, %mul3A_300 : i32
      %add3A_302 = arith.addi %mul3A_299, %mul3A_301 : i32
      %add3A_303 = arith.constant 0 : i32
      %add3A_304 = arith.addi %add3A_302, %add3A_303 : i32
      %jit3A_305 = arith.constant 16 : i32
      %div3A_306 = arith.divsi %add3A_304, %jit3A_305 : i32
      %sign3A_307 = arith.constant 0 : i32
      %sign3A_308 = arith.cmpi sgt, %add3A_304, %sign3A_307 : i32
      %sign3A_309 = arith.extui %sign3A_308 : i1 to i32
      %sign3A_310 = arith.constant 0 : i32
      %sign3A_311 = arith.cmpi slt, %add3A_304, %sign3A_310 : i32
      %sign3A_312 = arith.extui %sign3A_311 : i1 to i32
      %sign3A_313 = arith.subi %sign3A_309, %sign3A_312 : i32
      %sign3A_314 = arith.constant 0 : i32
      %sign3A_315 = arith.cmpi sgt, %jit3A_305, %sign3A_314 : i32
      %sign3A_316 = arith.extui %sign3A_315 : i1 to i32
      %sign3A_317 = arith.constant 0 : i32
      %sign3A_318 = arith.cmpi slt, %jit3A_305, %sign3A_317 : i32
      %sign3A_319 = arith.extui %sign3A_318 : i1 to i32
      %sign3A_320 = arith.subi %sign3A_316, %sign3A_319 : i32
      %ne3A_321 = arith.cmpi ne, %sign3A_313, %sign3A_320 : i32
      %rem3A_322 = arith.remsi %add3A_304, %jit3A_305 : i32
      %ne3A_323 = arith.constant 0 : i32
      %ne3A_324 = arith.cmpi ne, %rem3A_322, %ne3A_323 : i32
      %and3A_325 = arith.andi %ne3A_321, %ne3A_324 : i1
      %sub3A_326 = arith.constant 1 : i32
      %sub3A_327 = arith.subi %div3A_306, %sub3A_326 : i32
      %select_n3A_328 = arith.select %and3A_325, %sub3A_327, %div3A_306 : i32
      %mul3A_329 = arith.constant 16 : i32
      %mul3A_330 = arith.muli %select_n3A_328, %mul3A_329 : i32
      %get3A_331 = arith.index_cast %mul3A_330 : i32 to index
      %get3A_332 = tpu.vector_load %arg5[%get3A_331] {strides = array<i32>} : memref<4096xi32, #tpu.memory_space<vmem>>, vector<16xi32>,
      %jit3A_333 = arith.constant 16 : i32
      %eq3A_334 = arith.constant 0 : i32
      %eq3A_335 = arith.cmpi eq, %jit3A_333, %eq3A_334 : i32
      %jit3A_336 = arith.constant 1 : i32
      %select_n3A_337 = arith.select %eq3A_335, %jit3A_336, %jit3A_333 : i32
      %rem3A_338 = arith.remsi %add3A_304, %select_n3A_337 : i32
      %ne3A_339 = arith.constant 0 : i32
      %ne3A_340 = arith.cmpi ne, %rem3A_338, %ne3A_339 : i32
      %lt3A_341 = arith.constant 0 : i32
      %lt3A_342 = arith.cmpi slt, %rem3A_338, %lt3A_341 : i32
      %lt3A_343 = arith.constant 0 : i32
      %lt3A_344 = arith.cmpi slt, %select_n3A_337, %lt3A_343 : i32
      %ne3A_345 = arith.xori %lt3A_342, %lt3A_344 : i1
      %and3A_346 = arith.andi %ne3A_345, %ne3A_340 : i1
      %add3A_347 = arith.addi %rem3A_338, %select_n3A_337 : i32
      %select_n3A_348 = arith.select %and3A_346, %add3A_347, %rem3A_338 : i32
      %eq3A_349 = vector.broadcast %select_n3A_348 : i32 to vector<16xi32>
      %eq3A_350 = arith.cmpi eq, %iota3A, %eq3A_349 : vector<16xi32>
      %jit3A_351 = arith.constant 0 : i32
      %broadcast_in_dim3A_352 = vector.broadcast %jit3A_351 : i32 to vector<16xi32>
      %select_n3A_353 = arith.select %eq3A_350, %get3A_332, %broadcast_in_dim3A_352 : vector<16xi1>, vector<16xi32>
      %reduce_sum3A_354 = arith.constant true
      %reduce_sum3A_355 = vector.broadcast %reduce_sum3A_354 : i1 to vector<16xi1>
      %reduce_sum3A_356 = tpu.scan <sum>, %select_n3A_353 masked %reduce_sum3A_355 : vector<16xi32>, vector<16xi1> -> vector<16xi32>
      %reduce_sum3A_357 = vector.extract %reduce_sum3A_356[15] : i32 from vector<16xi32>
      %dma_start3A_358 = arith.constant 0 : i32
      %dma_start3A_359 = tpu.memref_slice %arg2[%reduce_sum3A_357, %dma_start3A_358] : memref<8192x8192xf32, #tpu.memory_space<hbm>> -> memref<1x8192xf32, #tpu.memory_space<hbm>>
      %dma_start3A_360 = tpu.memref_squeeze %dma_start3A_359 : memref<1x8192xf32, #tpu.memory_space<hbm>> -> memref<8192xf32, #tpu.memory_space<hbm>>
      %dma_start3A_361 = arith.constant 0 : i32
      %dma_start3A_362 = tpu.memref_slice %arg2[%reduce_sum3A_357, %dma_start3A_361] : memref<8192x8192xf32, #tpu.memory_space<hbm>> -> memref<1x8192xf32, #tpu.memory_space<hbm>>
      %dma_start3A_363 = tpu.memref_squeeze %dma_start3A_362 : memref<1x8192xf32, #tpu.memory_space<hbm>> -> memref<8192xf32, #tpu.memory_space<hbm>>
      tpu.enqueue_dma source(%dma_start3A_363 : memref<8192xf32, #tpu.memory_space<hbm>>) target(%arg10 : memref<8192xf32, #tpu.memory_space<vmem>>) target_semaphore(%arg17 : memref<!tpu.dma_semaphore, #tpu.memory_space<semaphore_mem>>)
      %mul3A_364 = arith.constant 128 : i32
      %mul3A_365 = arith.muli %add3A, %mul3A_364 : i32
      %mul3A_366 = arith.constant 4 : i32
      %mul3A_367 = arith.muli %add3A_269, %mul3A_366 : i32
      %add3A_368 = arith.addi %mul3A_365, %mul3A_367 : i32
      %add3A_369 = arith.constant 1 : i32
      %add3A_370 = arith.addi %add3A_368, %add3A_369 : i32
      %jit3A_371 = arith.constant 16 : i32
      %div3A_372 = arith.divsi %add3A_370, %jit3A_371 : i32
      %sign3A_373 = arith.constant 0 : i32
      %sign3A_374 = arith.cmpi sgt, %add3A_370, %sign3A_373 : i32
      %sign3A_375 = arith.extui %sign3A_374 : i1 to i32
      %sign3A_376 = arith.constant 0 : i32
      %sign3A_377 = arith.cmpi slt, %add3A_370, %sign3A_376 : i32
      %sign3A_378 = arith.extui %sign3A_377 : i1 to i32
      %sign3A_379 = arith.subi %sign3A_375, %sign3A_378 : i32
      %sign3A_380 = arith.constant 0 : i32
      %sign3A_381 = arith.cmpi sgt, %jit3A_371, %sign3A_380 : i32
      %sign3A_382 = arith.extui %sign3A_381 : i1 to i32
      %sign3A_383 = arith.constant 0 : i32
      %sign3A_384 = arith.cmpi slt, %jit3A_371, %sign3A_383 : i32
      %sign3A_385 = arith.extui %sign3A_384 : i1 to i32
      %sign3A_386 = arith.subi %sign3A_382, %sign3A_385 : i32
      %ne3A_387 = arith.cmpi ne, %sign3A_379, %sign3A_386 : i32
      %rem3A_388 = arith.remsi %add3A_370, %jit3A_371 : i32
      %ne3A_389 = arith.constant 0 : i32
      %ne3A_390 = arith.cmpi ne, %rem3A_388, %ne3A_389 : i32
      %and3A_391 = arith.andi %ne3A_387, %ne3A_390 : i1
      %sub3A_392 = arith.constant 1 : i32
      %sub3A_393 = arith.subi %div3A_372, %sub3A_392 : i32
      %select_n3A_394 = arith.select %and3A_391, %sub3A_393, %div3A_372 : i32
      %mul3A_395 = arith.constant 16 : i32
      %mul3A_396 = arith.muli %select_n3A_394, %mul3A_395 : i32
      %get3A_397 = arith.index_cast %mul3A_396 : i32 to index
      %get3A_398 = tpu.vector_load %arg5[%get3A_397] {strides = array<i32>} : memref<4096xi32, #tpu.memory_space<vmem>>, vector<16xi32>,
      %jit3A_399 = arith.constant 16 : i32
      %eq3A_400 = arith.constant 0 : i32
      %eq3A_401 = arith.cmpi eq, %jit3A_399, %eq3A_400 : i32
      %jit3A_402 = arith.constant 1 : i32
      %select_n3A_403 = arith.select %eq3A_401, %jit3A_402, %jit3A_399 : i32
      %rem3A_404 = arith.remsi %add3A_370, %select_n3A_403 : i32
      %ne3A_405 = arith.constant 0 : i32
      %ne3A_406 = arith.cmpi ne, %rem3A_404, %ne3A_405 : i32
      %lt3A_407 = arith.constant 0 : i32
      %lt3A_408 = arith.cmpi slt, %rem3A_404, %lt3A_407 : i32
      %lt3A_409 = arith.constant 0 : i32
      %lt3A_410 = arith.cmpi slt, %select_n3A_403, %lt3A_409 : i32
      %ne3A_411 = arith.xori %lt3A_408, %lt3A_410 : i1
      %and3A_412 = arith.andi %ne3A_411, %ne3A_406 : i1
      %add3A_413 = arith.addi %rem3A_404, %select_n3A_403 : i32
      %select_n3A_414 = arith.select %and3A_412, %add3A_413, %rem3A_404 : i32
      %eq3A_415 = vector.broadcast %select_n3A_414 : i32 to vector<16xi32>
      %eq3A_416 = arith.cmpi eq, %iota3A, %eq3A_415 : vector<16xi32>
      %jit3A_417 = arith.constant 0 : i32
      %broadcast_in_dim3A_418 = vector.broadcast %jit3A_417 : i32 to vector<16xi32>
      %select_n3A_419 = arith.select %eq3A_416, %get3A_398, %broadcast_in_dim3A_418 : vector<16xi1>, vector<16xi32>
      %reduce_sum3A_420 = arith.constant true
      %reduce_sum3A_421 = vector.broadcast %reduce_sum3A_420 : i1 to vector<16xi1>
      %reduce_sum3A_422 = tpu.scan <sum>, %select_n3A_419 masked %reduce_sum3A_421 : vector<16xi32>, vector<16xi1> -> vector<16xi32>
      %reduce_sum3A_423 = vector.extract %reduce_sum3A_422[15] : i32 from vector<16xi32>
      %dma_start3A_424 = arith.constant 0 : i32
      %dma_start3A_425 = tpu.memref_slice %arg2[%reduce_sum3A_423, %dma_start3A_424] : memref<8192x8192xf32, #tpu.memory_space<hbm>> -> memref<1x8192xf32, #tpu.memory_space<hbm>>
      %dma_start3A_426 = tpu.memref_squeeze %dma_start3A_425 : memref<1x8192xf32, #tpu.memory_space<hbm>> -> memref<8192xf32, #tpu.memory_space<hbm>>
      %dma_start3A_427 = arith.constant 0 : i32
      %dma_start3A_428 = tpu.memref_slice %arg2[%reduce_sum3A_423, %dma_start3A_427] : memref<8192x8192xf32, #tpu.memory_space<hbm>> -> memref<1x8192xf32, #tpu.memory_space<hbm>>
      %dma_start3A_429 = tpu.memref_squeeze %dma_start3A_428 : memref<1x8192xf32, #tpu.memory_space<hbm>> -> memref<8192xf32, #tpu.memory_space<hbm>>
      tpu.enqueue_dma source(%dma_start3A_429 : memref<8192xf32, #tpu.memory_space<hbm>>) target(%arg11 : memref<8192xf32, #tpu.memory_space<vmem>>) target_semaphore(%arg17 : memref<!tpu.dma_semaphore, #tpu.memory_space<semaphore_mem>>)
      %mul3A_430 = arith.constant 128 : i32
      %mul3A_431 = arith.muli %add3A, %mul3A_430 : i32
      %mul3A_432 = arith.constant 4 : i32
      %mul3A_433 = arith.muli %add3A_269, %mul3A_432 : i32
      %add3A_434 = arith.addi %mul3A_431, %mul3A_433 : i32
      %add3A_435 = arith.constant 2 : i32
      %add3A_436 = arith.addi %add3A_434, %add3A_435 : i32
      %jit3A_437 = arith.constant 16 : i32
      %div3A_438 = arith.divsi %add3A_436, %jit3A_437 : i32
      %sign3A_439 = arith.constant 0 : i32
      %sign3A_440 = arith.cmpi sgt, %add3A_436, %sign3A_439 : i32
      %sign3A_441 = arith.extui %sign3A_440 : i1 to i32
      %sign3A_442 = arith.constant 0 : i32
      %sign3A_443 = arith.cmpi slt, %add3A_436, %sign3A_442 : i32
      %sign3A_444 = arith.extui %sign3A_443 : i1 to i32
      %sign3A_445 = arith.subi %sign3A_441, %sign3A_444 : i32
      %sign3A_446 = arith.constant 0 : i32
      %sign3A_447 = arith.cmpi sgt, %jit3A_437, %sign3A_446 : i32
      %sign3A_448 = arith.extui %sign3A_447 : i1 to i32
      %sign3A_449 = arith.constant 0 : i32
      %sign3A_450 = arith.cmpi slt, %jit3A_437, %sign3A_449 : i32
      %sign3A_451 = arith.extui %sign3A_450 : i1 to i32
      %sign3A_452 = arith.subi %sign3A_448, %sign3A_451 : i32
      %ne3A_453 = arith.cmpi ne, %sign3A_445, %sign3A_452 : i32
      %rem3A_454 = arith.remsi %add3A_436, %jit3A_437 : i32
      %ne3A_455 = arith.constant 0 : i32
      %ne3A_456 = arith.cmpi ne, %rem3A_454, %ne3A_455 : i32
      %and3A_457 = arith.andi %ne3A_453, %ne3A_456 : i1
      %sub3A_458 = arith.constant 1 : i32
      %sub3A_459 = arith.subi %div3A_438, %sub3A_458 : i32
      %select_n3A_460 = arith.select %and3A_457, %sub3A_459, %div3A_438 : i32
      %mul3A_461 = arith.constant 16 : i32
      %mul3A_462 = arith.muli %select_n3A_460, %mul3A_461 : i32
      %get3A_463 = arith.index_cast %mul3A_462 : i32 to index
      %get3A_464 = tpu.vector_load %arg5[%get3A_463] {strides = array<i32>} : memref<4096xi32, #tpu.memory_space<vmem>>, vector<16xi32>,
      %jit3A_465 = arith.constant 16 : i32
      %eq3A_466 = arith.constant 0 : i32
      %eq3A_467 = arith.cmpi eq, %jit3A_465, %eq3A_466 : i32
      %jit3A_468 = arith.constant 1 : i32
      %select_n3A_469 = arith.select %eq3A_467, %jit3A_468, %jit3A_465 : i32
      %rem3A_470 = arith.remsi %add3A_436, %select_n3A_469 : i32
      %ne3A_471 = arith.constant 0 : i32
      %ne3A_472 = arith.cmpi ne, %rem3A_470, %ne3A_471 : i32
      %lt3A_473 = arith.constant 0 : i32
      %lt3A_474 = arith.cmpi slt, %rem3A_470, %lt3A_473 : i32
      %lt3A_475 = arith.constant 0 : i32
      %lt3A_476 = arith.cmpi slt, %select_n3A_469, %lt3A_475 : i32
      %ne3A_477 = arith.xori %lt3A_474, %lt3A_476 : i1
      %and3A_478 = arith.andi %ne3A_477, %ne3A_472 : i1
      %add3A_479 = arith.addi %rem3A_470, %select_n3A_469 : i32
      %select_n3A_480 = arith.select %and3A_478, %add3A_479, %rem3A_470 : i32
      %eq3A_481 = vector.broadcast %select_n3A_480 : i32 to vector<16xi32>
      %eq3A_482 = arith.cmpi eq, %iota3A, %eq3A_481 : vector<16xi32>
      %jit3A_483 = arith.constant 0 : i32
      %broadcast_in_dim3A_484 = vector.broadcast %jit3A_483 : i32 to vector<16xi32>
      %select_n3A_485 = arith.select %eq3A_482, %get3A_464, %broadcast_in_dim3A_484 : vector<16xi1>, vector<16xi32>
      %reduce_sum3A_486 = arith.constant true
      %reduce_sum3A_487 = vector.broadcast %reduce_sum3A_486 : i1 to vector<16xi1>
      %reduce_sum3A_488 = tpu.scan <sum>, %select_n3A_485 masked %reduce_sum3A_487 : vector<16xi32>, vector<16xi1> -> vector<16xi32>
      %reduce_sum3A_489 = vector.extract %reduce_sum3A_488[15] : i32 from vector<16xi32>
      %dma_start3A_490 = arith.constant 0 : i32
      %dma_start3A_491 = tpu.memref_slice %arg2[%reduce_sum3A_489, %dma_start3A_490] : memref<8192x8192xf32, #tpu.memory_space<hbm>> -> memref<1x8192xf32, #tpu.memory_space<hbm>>
      %dma_start3A_492 = tpu.memref_squeeze %dma_start3A_491 : memref<1x8192xf32, #tpu.memory_space<hbm>> -> memref<8192xf32, #tpu.memory_space<hbm>>
      %dma_start3A_493 = arith.constant 0 : i32
      %dma_start3A_494 = tpu.memref_slice %arg2[%reduce_sum3A_489, %dma_start3A_493] : memref<8192x8192xf32, #tpu.memory_space<hbm>> -> memref<1x8192xf32, #tpu.memory_space<hbm>>
      %dma_start3A_495 = tpu.memref_squeeze %dma_start3A_494 : memref<1x8192xf32, #tpu.memory_space<hbm>> -> memref<8192xf32, #tpu.memory_space<hbm>>
      tpu.enqueue_dma source(%dma_start3A_495 : memref<8192xf32, #tpu.memory_space<hbm>>) target(%arg12 : memref<8192xf32, #tpu.memory_space<vmem>>) target_semaphore(%arg17 : memref<!tpu.dma_semaphore, #tpu.memory_space<semaphore_mem>>)
      %mul3A_496 = arith.constant 128 : i32
      %mul3A_497 = arith.muli %add3A, %mul3A_496 : i32
      %mul3A_498 = arith.constant 4 : i32
      %mul3A_499 = arith.muli %add3A_269, %mul3A_498 : i32
      %add3A_500 = arith.addi %mul3A_497, %mul3A_499 : i32
      %add3A_501 = arith.constant 3 : i32
      %add3A_502 = arith.addi %add3A_500, %add3A_501 : i32
      %jit3A_503 = arith.constant 16 : i32
      %div3A_504 = arith.divsi %add3A_502, %jit3A_503 : i32
      %sign3A_505 = arith.constant 0 : i32
      %sign3A_506 = arith.cmpi sgt, %add3A_502, %sign3A_505 : i32
      %sign3A_507 = arith.extui %sign3A_506 : i1 to i32
      %sign3A_508 = arith.constant 0 : i32
      %sign3A_509 = arith.cmpi slt, %add3A_502, %sign3A_508 : i32
      %sign3A_510 = arith.extui %sign3A_509 : i1 to i32
      %sign3A_511 = arith.subi %sign3A_507, %sign3A_510 : i32
      %sign3A_512 = arith.constant 0 : i32
      %sign3A_513 = arith.cmpi sgt, %jit3A_503, %sign3A_512 : i32
      %sign3A_514 = arith.extui %sign3A_513 : i1 to i32
      %sign3A_515 = arith.constant 0 : i32
      %sign3A_516 = arith.cmpi slt, %jit3A_503, %sign3A_515 : i32
      %sign3A_517 = arith.extui %sign3A_516 : i1 to i32
      %sign3A_518 = arith.subi %sign3A_514, %sign3A_517 : i32
      %ne3A_519 = arith.cmpi ne, %sign3A_511, %sign3A_518 : i32
      %rem3A_520 = arith.remsi %add3A_502, %jit3A_503 : i32
      %ne3A_521 = arith.constant 0 : i32
      %ne3A_522 = arith.cmpi ne, %rem3A_520, %ne3A_521 : i32
      %and3A_523 = arith.andi %ne3A_519, %ne3A_522 : i1
      %sub3A_524 = arith.constant 1 : i32
      %sub3A_525 = arith.subi %div3A_504, %sub3A_524 : i32
      %select_n3A_526 = arith.select %and3A_523, %sub3A_525, %div3A_504 : i32
      %mul3A_527 = arith.constant 16 : i32
      %mul3A_528 = arith.muli %select_n3A_526, %mul3A_527 : i32
      %get3A_529 = arith.index_cast %mul3A_528 : i32 to index
      %get3A_530 = tpu.vector_load %arg5[%get3A_529] {strides = array<i32>} : memref<4096xi32, #tpu.memory_space<vmem>>, vector<16xi32>,
      %jit3A_531 = arith.constant 16 : i32
      %eq3A_532 = arith.constant 0 : i32
      %eq3A_533 = arith.cmpi eq, %jit3A_531, %eq3A_532 : i32
      %jit3A_534 = arith.constant 1 : i32
      %select_n3A_535 = arith.select %eq3A_533, %jit3A_534, %jit3A_531 : i32
      %rem3A_536 = arith.remsi %add3A_502, %select_n3A_535 : i32
      %ne3A_537 = arith.constant 0 : i32
      %ne3A_538 = arith.cmpi ne, %rem3A_536, %ne3A_537 : i32
      %lt3A_539 = arith.constant 0 : i32
      %lt3A_540 = arith.cmpi slt, %rem3A_536, %lt3A_539 : i32
      %lt3A_541 = arith.constant 0 : i32
      %lt3A_542 = arith.cmpi slt, %select_n3A_535, %lt3A_541 : i32
      %ne3A_543 = arith.xori %lt3A_540, %lt3A_542 : i1
      %and3A_544 = arith.andi %ne3A_543, %ne3A_538 : i1
      %add3A_545 = arith.addi %rem3A_536, %select_n3A_535 : i32
      %select_n3A_546 = arith.select %and3A_544, %add3A_545, %rem3A_536 : i32
      %eq3A_547 = vector.broadcast %select_n3A_546 : i32 to vector<16xi32>
      %eq3A_548 = arith.cmpi eq, %iota3A, %eq3A_547 : vector<16xi32>
      %jit3A_549 = arith.constant 0 : i32
      %broadcast_in_dim3A_550 = vector.broadcast %jit3A_549 : i32 to vector<16xi32>
      %select_n3A_551 = arith.select %eq3A_548, %get3A_530, %broadcast_in_dim3A_550 : vector<16xi1>, vector<16xi32>
      %reduce_sum3A_552 = arith.constant true
      %reduce_sum3A_553 = vector.broadcast %reduce_sum3A_552 : i1 to vector<16xi1>
      %reduce_sum3A_554 = tpu.scan <sum>, %select_n3A_551 masked %reduce_sum3A_553 : vector<16xi32>, vector<16xi1> -> vector<16xi32>
      %reduce_sum3A_555 = vector.extract %reduce_sum3A_554[15] : i32 from vector<16xi32>
      %dma_start3A_556 = arith.constant 0 : i32
      %dma_start3A_557 = tpu.memref_slice %arg2[%reduce_sum3A_555, %dma_start3A_556] : memref<8192x8192xf32, #tpu.memory_space<hbm>> -> memref<1x8192xf32, #tpu.memory_space<hbm>>
      %dma_start3A_558 = tpu.memref_squeeze %dma_start3A_557 : memref<1x8192xf32, #tpu.memory_space<hbm>> -> memref<8192xf32, #tpu.memory_space<hbm>>
      %dma_start3A_559 = arith.constant 0 : i32
      %dma_start3A_560 = tpu.memref_slice %arg2[%reduce_sum3A_555, %dma_start3A_559] : memref<8192x8192xf32, #tpu.memory_space<hbm>> -> memref<1x8192xf32, #tpu.memory_space<hbm>>
      %dma_start3A_561 = tpu.memref_squeeze %dma_start3A_560 : memref<1x8192xf32, #tpu.memory_space<hbm>> -> memref<8192xf32, #tpu.memory_space<hbm>>
      tpu.enqueue_dma source(%dma_start3A_561 : memref<8192xf32, #tpu.memory_space<hbm>>) target(%arg13 : memref<8192xf32, #tpu.memory_space<vmem>>) target_semaphore(%arg17 : memref<!tpu.dma_semaphore, #tpu.memory_space<semaphore_mem>>)
      %gt3A = arith.constant 0 : i32
      %gt3A_562 = arith.cmpi sgt, %scan3A_263, %gt3A : i32
      %convert_element_type3A = arith.extui %gt3A_562 : i1 to i32
      %cond3A = arith.constant 0 : i32
      %cond3A_563 = arith.cmpi ne, %convert_element_type3A, %cond3A : i32
      scf.if %cond3A_563 {
        %dma_wait3A_627 = arith.constant 0 : i32
        %dma_wait3A_628 = arith.constant 0 : i32
        %dma_wait3A_629 = tpu.memref_slice %arg4[%dma_wait3A_627, %dma_wait3A_628] : memref<4096x4096xf32, #tpu.memory_space<hbm>> -> memref<4x4096xf32, #tpu.memory_space<hbm>>
        %dma_wait3A_630 = arith.constant 0 : i32
        %dma_wait3A_631 = arith.constant 0 : i32
        %dma_wait3A_632 = tpu.memref_slice %arg4[%dma_wait3A_630, %dma_wait3A_631] : memref<4096x4096xf32, #tpu.memory_space<hbm>> -> memref<4x4096xf32, #tpu.memory_space<hbm>>
        tpu.wait_dma2 semaphore(%arg18 : memref<!tpu.dma_semaphore, #tpu.memory_space<semaphore_mem>>) src(%arg14 : memref<4x4096xf32, #tpu.memory_space<vmem>>) dst(%dma_wait3A_632 : memref<4x4096xf32, #tpu.memory_space<hbm>>)
      } else {
      }
      %parallel_loop3A = arith.constant 0 : i32
      %parallel_loop3A_564 = arith.constant 256 : i32
      %parallel_loop3A_565 = arith.constant 1 : i32
      scf.for %parallel_loop3A_627 = %parallel_loop3A to %parallel_loop3A_564 step %parallel_loop3A_565  : i32 {
        %parallel_loop3A_628 = arith.constant 16 : i32
        %parallel_loop3A_629 = arith.muli %parallel_loop3A_627, %parallel_loop3A_628 : i32
        %parallel_loop3A_630 = arith.index_cast %parallel_loop3A_629 : i32 to index
        %parallel_loop3A_631 = tpu.vector_load %arg5[%parallel_loop3A_630] {strides = array<i32>} : memref<4096xi32, #tpu.memory_space<vmem>>, vector<16xi32>,
        %parallel_loop3A_632 = tpu.vector_load_idx %arg6[%parallel_loop3A_631] : memref<8192xf32, #tpu.memory_space<vmem>>[vector<16xi32>], vector<16xf32>,
        %parallel_loop3A_633 = arith.constant 16 : i32
        %parallel_loop3A_634 = arith.muli %parallel_loop3A_627, %parallel_loop3A_633 : i32
        %parallel_loop3A_635 = arith.constant 0 : i32
        %parallel_loop3A_636 = arith.index_cast %parallel_loop3A_635 : i32 to index
        %parallel_loop3A_637 = arith.index_cast %parallel_loop3A_634 : i32 to index
        %parallel_loop3A_638 = tpu.vector_load %arg14[%parallel_loop3A_636, %parallel_loop3A_637] {strides = array<i32>} : memref<4x4096xf32, #tpu.memory_space<vmem>>, vector<16xf32>,
        tpu.vector_store %arg14[%parallel_loop3A_636, %parallel_loop3A_637], %parallel_loop3A_632 {strides = array<i32>} : memref<4x4096xf32, #tpu.memory_space<vmem>>, vector<16xf32>,
        %parallel_loop3A_639 = tpu.vector_load_idx %arg7[%parallel_loop3A_631] : memref<8192xf32, #tpu.memory_space<vmem>>[vector<16xi32>], vector<16xf32>,
        %parallel_loop3A_640 = arith.constant 16 : i32
        %parallel_loop3A_641 = arith.muli %parallel_loop3A_627, %parallel_loop3A_640 : i32
        %parallel_loop3A_642 = arith.constant 1 : i32
        %parallel_loop3A_643 = arith.index_cast %parallel_loop3A_642 : i32 to index
        %parallel_loop3A_644 = arith.index_cast %parallel_loop3A_641 : i32 to index
        %parallel_loop3A_645 = tpu.vector_load %arg14[%parallel_loop3A_643, %parallel_loop3A_644] {strides = array<i32>} : memref<4x4096xf32, #tpu.memory_space<vmem>>, vector<16xf32>,
        tpu.vector_store %arg14[%parallel_loop3A_643, %parallel_loop3A_644], %parallel_loop3A_639 {strides = array<i32>} : memref<4x4096xf32, #tpu.memory_space<vmem>>, vector<16xf32>,
        %parallel_loop3A_646 = tpu.vector_load_idx %arg8[%parallel_loop3A_631] : memref<8192xf32, #tpu.memory_space<vmem>>[vector<16xi32>], vector<16xf32>,
        %parallel_loop3A_647 = arith.constant 16 : i32
        %parallel_loop3A_648 = arith.muli %parallel_loop3A_627, %parallel_loop3A_647 : i32
        %parallel_loop3A_649 = arith.constant 2 : i32
        %parallel_loop3A_650 = arith.index_cast %parallel_loop3A_649 : i32 to index
        %parallel_loop3A_651 = arith.index_cast %parallel_loop3A_648 : i32 to index
        %parallel_loop3A_652 = tpu.vector_load %arg14[%parallel_loop3A_650, %parallel_loop3A_651] {strides = array<i32>} : memref<4x4096xf32, #tpu.memory_space<vmem>>, vector<16xf32>,
        tpu.vector_store %arg14[%parallel_loop3A_650, %parallel_loop3A_651], %parallel_loop3A_646 {strides = array<i32>} : memref<4x4096xf32, #tpu.memory_space<vmem>>, vector<16xf32>,
        %parallel_loop3A_653 = tpu.vector_load_idx %arg9[%parallel_loop3A_631] : memref<8192xf32, #tpu.memory_space<vmem>>[vector<16xi32>], vector<16xf32>,
        %parallel_loop3A_654 = arith.constant 16 : i32
        %parallel_loop3A_655 = arith.muli %parallel_loop3A_627, %parallel_loop3A_654 : i32
        %parallel_loop3A_656 = arith.constant 3 : i32
        %parallel_loop3A_657 = arith.index_cast %parallel_loop3A_656 : i32 to index
        %parallel_loop3A_658 = arith.index_cast %parallel_loop3A_655 : i32 to index
        %parallel_loop3A_659 = tpu.vector_load %arg14[%parallel_loop3A_657, %parallel_loop3A_658] {strides = array<i32>} : memref<4x4096xf32, #tpu.memory_space<vmem>>, vector<16xf32>,
        tpu.vector_store %arg14[%parallel_loop3A_657, %parallel_loop3A_658], %parallel_loop3A_653 {strides = array<i32>} : memref<4x4096xf32, #tpu.memory_space<vmem>>, vector<16xf32>,
      } {sc.loop_unroll_factor = 16 : i64, sc.parallel_access}
      %mul3A_566 = arith.constant 128 : i32
      %mul3A_567 = arith.muli %add3A, %mul3A_566 : i32
      %mul3A_568 = arith.constant 4 : i32
      %mul3A_569 = arith.muli %mul3A_265, %mul3A_568 : i32
      %add3A_570 = arith.addi %mul3A_567, %mul3A_569 : i32
      %dma_start3A_571 = arith.constant 0 : i32
      %dma_start3A_572 = tpu.memref_slice %arg4[%add3A_570, %dma_start3A_571] : memref<4096x4096xf32, #tpu.memory_space<hbm>> -> memref<4x4096xf32, #tpu.memory_space<hbm>>
      %dma_start3A_573 = arith.constant 0 : i32
      %dma_start3A_574 = tpu.memref_slice %arg4[%add3A_570, %dma_start3A_573] : memref<4096x4096xf32, #tpu.memory_space<hbm>> -> memref<4x4096xf32, #tpu.memory_space<hbm>>
      tpu.enqueue_dma source(%arg14 : memref<4x4096xf32, #tpu.memory_space<vmem>>) target(%dma_start3A_574 : memref<4x4096xf32, #tpu.memory_space<hbm>>) target_semaphore(%arg18 : memref<!tpu.dma_semaphore, #tpu.memory_space<semaphore_mem>>)
      %dma_wait3A_575 = arith.constant 0 : i32
      %dma_wait3A_576 = arith.constant 0 : i32
      %dma_wait3A_577 = tpu.memref_slice %arg2[%dma_wait3A_575, %dma_wait3A_576] : memref<8192x8192xf32, #tpu.memory_space<hbm>> -> memref<1x8192xf32, #tpu.memory_space<hbm>>
      %dma_wait3A_578 = tpu.memref_squeeze %dma_wait3A_577 : memref<1x8192xf32, #tpu.memory_space<hbm>> -> memref<8192xf32, #tpu.memory_space<hbm>>
      %dma_wait3A_579 = arith.constant 0 : i32
      %dma_wait3A_580 = tpu.memref_slice %arg2[%dma_wait3A_575, %dma_wait3A_579] : memref<8192x8192xf32, #tpu.memory_space<hbm>> -> memref<1x8192xf32, #tpu.memory_space<hbm>>
      %dma_wait3A_581 = tpu.memref_squeeze %dma_wait3A_580 : memref<1x8192xf32, #tpu.memory_space<hbm>> -> memref<8192xf32, #tpu.memory_space<hbm>>
      tpu.wait_dma2 semaphore(%arg17 : memref<!tpu.dma_semaphore, #tpu.memory_space<semaphore_mem>>) src(%dma_wait3A_581 : memref<8192xf32, #tpu.memory_space<hbm>>) dst(%arg10 : memref<8192xf32, #tpu.memory_space<vmem>>)
      %dma_wait3A_582 = arith.constant 0 : i32
      %dma_wait3A_583 = arith.constant 0 : i32
      %dma_wait3A_584 = tpu.memref_slice %arg2[%dma_wait3A_582, %dma_wait3A_583] : memref<8192x8192xf32, #tpu.memory_space<hbm>> -> memref<1x8192xf32, #tpu.memory_space<hbm>>
      %dma_wait3A_585 = tpu.memref_squeeze %dma_wait3A_584 : memref<1x8192xf32, #tpu.memory_space<hbm>> -> memref<8192xf32, #tpu.memory_space<hbm>>
      %dma_wait3A_586 = arith.constant 0 : i32
      %dma_wait3A_587 = tpu.memref_slice %arg2[%dma_wait3A_582, %dma_wait3A_586] : memref<8192x8192xf32, #tpu.memory_space<hbm>> -> memref<1x8192xf32, #tpu.memory_space<hbm>>
      %dma_wait3A_588 = tpu.memref_squeeze %dma_wait3A_587 : memref<1x8192xf32, #tpu.memory_space<hbm>> -> memref<8192xf32, #tpu.memory_space<hbm>>
      tpu.wait_dma2 semaphore(%arg17 : memref<!tpu.dma_semaphore, #tpu.memory_space<semaphore_mem>>) src(%dma_wait3A_588 : memref<8192xf32, #tpu.memory_space<hbm>>) dst(%arg11 : memref<8192xf32, #tpu.memory_space<vmem>>)
      %dma_wait3A_589 = arith.constant 0 : i32
      %dma_wait3A_590 = arith.constant 0 : i32
      %dma_wait3A_591 = tpu.memref_slice %arg2[%dma_wait3A_589, %dma_wait3A_590] : memref<8192x8192xf32, #tpu.memory_space<hbm>> -> memref<1x8192xf32, #tpu.memory_space<hbm>>
      %dma_wait3A_592 = tpu.memref_squeeze %dma_wait3A_591 : memref<1x8192xf32, #tpu.memory_space<hbm>> -> memref<8192xf32, #tpu.memory_space<hbm>>
      %dma_wait3A_593 = arith.constant 0 : i32
      %dma_wait3A_594 = tpu.memref_slice %arg2[%dma_wait3A_589, %dma_wait3A_593] : memref<8192x8192xf32, #tpu.memory_space<hbm>> -> memref<1x8192xf32, #tpu.memory_space<hbm>>
      %dma_wait3A_595 = tpu.memref_squeeze %dma_wait3A_594 : memref<1x8192xf32, #tpu.memory_space<hbm>> -> memref<8192xf32, #tpu.memory_space<hbm>>
      tpu.wait_dma2 semaphore(%arg17 : memref<!tpu.dma_semaphore, #tpu.memory_space<semaphore_mem>>) src(%dma_wait3A_595 : memref<8192xf32, #tpu.memory_space<hbm>>) dst(%arg12 : memref<8192xf32, #tpu.memory_space<vmem>>)
      %dma_wait3A_596 = arith.constant 0 : i32
      %dma_wait3A_597 = arith.constant 0 : i32
      %dma_wait3A_598 = tpu.memref_slice %arg2[%dma_wait3A_596, %dma_wait3A_597] : memref<8192x8192xf32, #tpu.memory_space<hbm>> -> memref<1x8192xf32, #tpu.memory_space<hbm>>
      %dma_wait3A_599 = tpu.memref_squeeze %dma_wait3A_598 : memref<1x8192xf32, #tpu.memory_space<hbm>> -> memref<8192xf32, #tpu.memory_space<hbm>>
      %dma_wait3A_600 = arith.constant 0 : i32
      %dma_wait3A_601 = tpu.memref_slice %arg2[%dma_wait3A_596, %dma_wait3A_600] : memref<8192x8192xf32, #tpu.memory_space<hbm>> -> memref<1x8192xf32, #tpu.memory_space<hbm>>
      %dma_wait3A_602 = tpu.memref_squeeze %dma_wait3A_601 : memref<1x8192xf32, #tpu.memory_space<hbm>> -> memref<8192xf32, #tpu.memory_space<hbm>>
      tpu.wait_dma2 semaphore(%arg17 : memref<!tpu.dma_semaphore, #tpu.memory_space<semaphore_mem>>) src(%dma_wait3A_602 : memref<8192xf32, #tpu.memory_space<hbm>>) dst(%arg13 : memref<8192xf32, #tpu.memory_space<vmem>>)
      %add3A_603 = arith.constant 1 : i32
      %add3A_604 = arith.addi %add3A_269, %add3A_603 : i32
      %lt3A_605 = arith.constant 32 : i32
      %lt3A_606 = arith.cmpi slt, %add3A_604, %lt3A_605 : i32
      %convert_element_type3A_607 = arith.extui %lt3A_606 : i1 to i32
      %cond3A_608 = arith.constant 0 : i32
      %cond3A_609 = arith.cmpi ne, %convert_element_type3A_607, %cond3A_608 : i32
      scf.if %cond3A_609 {
        %add3A_627 = arith.constant 1 : i32
        %add3A_628 = arith.addi %add3A_269, %add3A_627 : i32
        %mul3A_629 = arith.constant 128 : i32
        %mul3A_630 = arith.muli %add3A, %mul3A_629 : i32
        %mul3A_631 = arith.constant 4 : i32
        %mul3A_632 = arith.muli %add3A_628, %mul3A_631 : i32
        %add3A_633 = arith.addi %mul3A_630, %mul3A_632 : i32
        %add3A_634 = arith.constant 0 : i32
        %add3A_635 = arith.addi %add3A_633, %add3A_634 : i32
        %jit3A_636 = arith.constant 16 : i32
        %div3A_637 = arith.divsi %add3A_635, %jit3A_636 : i32
        %sign3A_638 = arith.constant 0 : i32
        %sign3A_639 = arith.cmpi sgt, %add3A_635, %sign3A_638 : i32
        %sign3A_640 = arith.extui %sign3A_639 : i1 to i32
        %sign3A_641 = arith.constant 0 : i32
        %sign3A_642 = arith.cmpi slt, %add3A_635, %sign3A_641 : i32
        %sign3A_643 = arith.extui %sign3A_642 : i1 to i32
        %sign3A_644 = arith.subi %sign3A_640, %sign3A_643 : i32
        %sign3A_645 = arith.constant 0 : i32
        %sign3A_646 = arith.cmpi sgt, %jit3A_636, %sign3A_645 : i32
        %sign3A_647 = arith.extui %sign3A_646 : i1 to i32
        %sign3A_648 = arith.constant 0 : i32
        %sign3A_649 = arith.cmpi slt, %jit3A_636, %sign3A_648 : i32
        %sign3A_650 = arith.extui %sign3A_649 : i1 to i32
        %sign3A_651 = arith.subi %sign3A_647, %sign3A_650 : i32
        %ne3A_652 = arith.cmpi ne, %sign3A_644, %sign3A_651 : i32
        %rem3A_653 = arith.remsi %add3A_635, %jit3A_636 : i32
        %ne3A_654 = arith.constant 0 : i32
        %ne3A_655 = arith.cmpi ne, %rem3A_653, %ne3A_654 : i32
        %and3A_656 = arith.andi %ne3A_652, %ne3A_655 : i1
        %sub3A_657 = arith.constant 1 : i32
        %sub3A_658 = arith.subi %div3A_637, %sub3A_657 : i32
        %select_n3A_659 = arith.select %and3A_656, %sub3A_658, %div3A_637 : i32
        %mul3A_660 = arith.constant 16 : i32
        %mul3A_661 = arith.muli %select_n3A_659, %mul3A_660 : i32
        %get3A_662 = arith.index_cast %mul3A_661 : i32 to index
        %get3A_663 = tpu.vector_load %arg5[%get3A_662] {strides = array<i32>} : memref<4096xi32, #tpu.memory_space<vmem>>, vector<16xi32>,
        %jit3A_664 = arith.constant 16 : i32
        %eq3A_665 = arith.constant 0 : i32
        %eq3A_666 = arith.cmpi eq, %jit3A_664, %eq3A_665 : i32
        %jit3A_667 = arith.constant 1 : i32
        %select_n3A_668 = arith.select %eq3A_666, %jit3A_667, %jit3A_664 : i32
        %rem3A_669 = arith.remsi %add3A_635, %select_n3A_668 : i32
        %ne3A_670 = arith.constant 0 : i32
        %ne3A_671 = arith.cmpi ne, %rem3A_669, %ne3A_670 : i32
        %lt3A_672 = arith.constant 0 : i32
        %lt3A_673 = arith.cmpi slt, %rem3A_669, %lt3A_672 : i32
        %lt3A_674 = arith.constant 0 : i32
        %lt3A_675 = arith.cmpi slt, %select_n3A_668, %lt3A_674 : i32
        %ne3A_676 = arith.xori %lt3A_673, %lt3A_675 : i1
        %and3A_677 = arith.andi %ne3A_676, %ne3A_671 : i1
        %add3A_678 = arith.addi %rem3A_669, %select_n3A_668 : i32
        %select_n3A_679 = arith.select %and3A_677, %add3A_678, %rem3A_669 : i32
        %eq3A_680 = vector.broadcast %select_n3A_679 : i32 to vector<16xi32>
        %eq3A_681 = arith.cmpi eq, %iota3A, %eq3A_680 : vector<16xi32>
        %jit3A_682 = arith.constant 0 : i32
        %broadcast_in_dim3A_683 = vector.broadcast %jit3A_682 : i32 to vector<16xi32>
        %select_n3A_684 = arith.select %eq3A_681, %get3A_663, %broadcast_in_dim3A_683 : vector<16xi1>, vector<16xi32>
        %reduce_sum3A_685 = arith.constant true
        %reduce_sum3A_686 = vector.broadcast %reduce_sum3A_685 : i1 to vector<16xi1>
        %reduce_sum3A_687 = tpu.scan <sum>, %select_n3A_684 masked %reduce_sum3A_686 : vector<16xi32>, vector<16xi1> -> vector<16xi32>
        %reduce_sum3A_688 = vector.extract %reduce_sum3A_687[15] : i32 from vector<16xi32>
        %dma_start3A_689 = arith.constant 0 : i32
        %dma_start3A_690 = tpu.memref_slice %arg2[%reduce_sum3A_688, %dma_start3A_689] : memref<8192x8192xf32, #tpu.memory_space<hbm>> -> memref<1x8192xf32, #tpu.memory_space<hbm>>
        %dma_start3A_691 = tpu.memref_squeeze %dma_start3A_690 : memref<1x8192xf32, #tpu.memory_space<hbm>> -> memref<8192xf32, #tpu.memory_space<hbm>>
        %dma_start3A_692 = arith.constant 0 : i32
        %dma_start3A_693 = tpu.memref_slice %arg2[%reduce_sum3A_688, %dma_start3A_692] : memref<8192x8192xf32, #tpu.memory_space<hbm>> -> memref<1x8192xf32, #tpu.memory_space<hbm>>
        %dma_start3A_694 = tpu.memref_squeeze %dma_start3A_693 : memref<1x8192xf32, #tpu.memory_space<hbm>> -> memref<8192xf32, #tpu.memory_space<hbm>>
        tpu.enqueue_dma source(%dma_start3A_694 : memref<8192xf32, #tpu.memory_space<hbm>>) target(%arg6 : memref<8192xf32, #tpu.memory_space<vmem>>) target_semaphore(%arg16 : memref<!tpu.dma_semaphore, #tpu.memory_space<semaphore_mem>>)
        %mul3A_695 = arith.constant 128 : i32
        %mul3A_696 = arith.muli %add3A, %mul3A_695 : i32
        %mul3A_697 = arith.constant 4 : i32
        %mul3A_698 = arith.muli %add3A_628, %mul3A_697 : i32
        %add3A_699 = arith.addi %mul3A_696, %mul3A_698 : i32
        %add3A_700 = arith.constant 1 : i32
        %add3A_701 = arith.addi %add3A_699, %add3A_700 : i32
        %jit3A_702 = arith.constant 16 : i32
        %div3A_703 = arith.divsi %add3A_701, %jit3A_702 : i32
        %sign3A_704 = arith.constant 0 : i32
        %sign3A_705 = arith.cmpi sgt, %add3A_701, %sign3A_704 : i32
        %sign3A_706 = arith.extui %sign3A_705 : i1 to i32
        %sign3A_707 = arith.constant 0 : i32
        %sign3A_708 = arith.cmpi slt, %add3A_701, %sign3A_707 : i32
        %sign3A_709 = arith.extui %sign3A_708 : i1 to i32
        %sign3A_710 = arith.subi %sign3A_706, %sign3A_709 : i32
        %sign3A_711 = arith.constant 0 : i32
        %sign3A_712 = arith.cmpi sgt, %jit3A_702, %sign3A_711 : i32
        %sign3A_713 = arith.extui %sign3A_712 : i1 to i32
        %sign3A_714 = arith.constant 0 : i32
        %sign3A_715 = arith.cmpi slt, %jit3A_702, %sign3A_714 : i32
        %sign3A_716 = arith.extui %sign3A_715 : i1 to i32
        %sign3A_717 = arith.subi %sign3A_713, %sign3A_716 : i32
        %ne3A_718 = arith.cmpi ne, %sign3A_710, %sign3A_717 : i32
        %rem3A_719 = arith.remsi %add3A_701, %jit3A_702 : i32
        %ne3A_720 = arith.constant 0 : i32
        %ne3A_721 = arith.cmpi ne, %rem3A_719, %ne3A_720 : i32
        %and3A_722 = arith.andi %ne3A_718, %ne3A_721 : i1
        %sub3A_723 = arith.constant 1 : i32
        %sub3A_724 = arith.subi %div3A_703, %sub3A_723 : i32
        %select_n3A_725 = arith.select %and3A_722, %sub3A_724, %div3A_703 : i32
        %mul3A_726 = arith.constant 16 : i32
        %mul3A_727 = arith.muli %select_n3A_725, %mul3A_726 : i32
        %get3A_728 = arith.index_cast %mul3A_727 : i32 to index
        %get3A_729 = tpu.vector_load %arg5[%get3A_728] {strides = array<i32>} : memref<4096xi32, #tpu.memory_space<vmem>>, vector<16xi32>,
        %jit3A_730 = arith.constant 16 : i32
        %eq3A_731 = arith.constant 0 : i32
        %eq3A_732 = arith.cmpi eq, %jit3A_730, %eq3A_731 : i32
        %jit3A_733 = arith.constant 1 : i32
        %select_n3A_734 = arith.select %eq3A_732, %jit3A_733, %jit3A_730 : i32
        %rem3A_735 = arith.remsi %add3A_701, %select_n3A_734 : i32
        %ne3A_736 = arith.constant 0 : i32
        %ne3A_737 = arith.cmpi ne, %rem3A_735, %ne3A_736 : i32
        %lt3A_738 = arith.constant 0 : i32
        %lt3A_739 = arith.cmpi slt, %rem3A_735, %lt3A_738 : i32
        %lt3A_740 = arith.constant 0 : i32
        %lt3A_741 = arith.cmpi slt, %select_n3A_734, %lt3A_740 : i32
        %ne3A_742 = arith.xori %lt3A_739, %lt3A_741 : i1
        %and3A_743 = arith.andi %ne3A_742, %ne3A_737 : i1
        %add3A_744 = arith.addi %rem3A_735, %select_n3A_734 : i32
        %select_n3A_745 = arith.select %and3A_743, %add3A_744, %rem3A_735 : i32
        %eq3A_746 = vector.broadcast %select_n3A_745 : i32 to vector<16xi32>
        %eq3A_747 = arith.cmpi eq, %iota3A, %eq3A_746 : vector<16xi32>
        %jit3A_748 = arith.constant 0 : i32
        %broadcast_in_dim3A_749 = vector.broadcast %jit3A_748 : i32 to vector<16xi32>
        %select_n3A_750 = arith.select %eq3A_747, %get3A_729, %broadcast_in_dim3A_749 : vector<16xi1>, vector<16xi32>
        %reduce_sum3A_751 = arith.constant true
        %reduce_sum3A_752 = vector.broadcast %reduce_sum3A_751 : i1 to vector<16xi1>
        %reduce_sum3A_753 = tpu.scan <sum>, %select_n3A_750 masked %reduce_sum3A_752 : vector<16xi32>, vector<16xi1> -> vector<16xi32>
        %reduce_sum3A_754 = vector.extract %reduce_sum3A_753[15] : i32 from vector<16xi32>
        %dma_start3A_755 = arith.constant 0 : i32
        %dma_start3A_756 = tpu.memref_slice %arg2[%reduce_sum3A_754, %dma_start3A_755] : memref<8192x8192xf32, #tpu.memory_space<hbm>> -> memref<1x8192xf32, #tpu.memory_space<hbm>>
        %dma_start3A_757 = tpu.memref_squeeze %dma_start3A_756 : memref<1x8192xf32, #tpu.memory_space<hbm>> -> memref<8192xf32, #tpu.memory_space<hbm>>
        %dma_start3A_758 = arith.constant 0 : i32
        %dma_start3A_759 = tpu.memref_slice %arg2[%reduce_sum3A_754, %dma_start3A_758] : memref<8192x8192xf32, #tpu.memory_space<hbm>> -> memref<1x8192xf32, #tpu.memory_space<hbm>>
        %dma_start3A_760 = tpu.memref_squeeze %dma_start3A_759 : memref<1x8192xf32, #tpu.memory_space<hbm>> -> memref<8192xf32, #tpu.memory_space<hbm>>
        tpu.enqueue_dma source(%dma_start3A_760 : memref<8192xf32, #tpu.memory_space<hbm>>) target(%arg7 : memref<8192xf32, #tpu.memory_space<vmem>>) target_semaphore(%arg16 : memref<!tpu.dma_semaphore, #tpu.memory_space<semaphore_mem>>)
        %mul3A_761 = arith.constant 128 : i32
        %mul3A_762 = arith.muli %add3A, %mul3A_761 : i32
        %mul3A_763 = arith.constant 4 : i32
        %mul3A_764 = arith.muli %add3A_628, %mul3A_763 : i32
        %add3A_765 = arith.addi %mul3A_762, %mul3A_764 : i32
        %add3A_766 = arith.constant 2 : i32
        %add3A_767 = arith.addi %add3A_765, %add3A_766 : i32
        %jit3A_768 = arith.constant 16 : i32
        %div3A_769 = arith.divsi %add3A_767, %jit3A_768 : i32
        %sign3A_770 = arith.constant 0 : i32
        %sign3A_771 = arith.cmpi sgt, %add3A_767, %sign3A_770 : i32
        %sign3A_772 = arith.extui %sign3A_771 : i1 to i32
        %sign3A_773 = arith.constant 0 : i32
        %sign3A_774 = arith.cmpi slt, %add3A_767, %sign3A_773 : i32
        %sign3A_775 = arith.extui %sign3A_774 : i1 to i32
        %sign3A_776 = arith.subi %sign3A_772, %sign3A_775 : i32
        %sign3A_777 = arith.constant 0 : i32
        %sign3A_778 = arith.cmpi sgt, %jit3A_768, %sign3A_777 : i32
        %sign3A_779 = arith.extui %sign3A_778 : i1 to i32
        %sign3A_780 = arith.constant 0 : i32
        %sign3A_781 = arith.cmpi slt, %jit3A_768, %sign3A_780 : i32
        %sign3A_782 = arith.extui %sign3A_781 : i1 to i32
        %sign3A_783 = arith.subi %sign3A_779, %sign3A_782 : i32
        %ne3A_784 = arith.cmpi ne, %sign3A_776, %sign3A_783 : i32
        %rem3A_785 = arith.remsi %add3A_767, %jit3A_768 : i32
        %ne3A_786 = arith.constant 0 : i32
        %ne3A_787 = arith.cmpi ne, %rem3A_785, %ne3A_786 : i32
        %and3A_788 = arith.andi %ne3A_784, %ne3A_787 : i1
        %sub3A_789 = arith.constant 1 : i32
        %sub3A_790 = arith.subi %div3A_769, %sub3A_789 : i32
        %select_n3A_791 = arith.select %and3A_788, %sub3A_790, %div3A_769 : i32
        %mul3A_792 = arith.constant 16 : i32
        %mul3A_793 = arith.muli %select_n3A_791, %mul3A_792 : i32
        %get3A_794 = arith.index_cast %mul3A_793 : i32 to index
        %get3A_795 = tpu.vector_load %arg5[%get3A_794] {strides = array<i32>} : memref<4096xi32, #tpu.memory_space<vmem>>, vector<16xi32>,
        %jit3A_796 = arith.constant 16 : i32
        %eq3A_797 = arith.constant 0 : i32
        %eq3A_798 = arith.cmpi eq, %jit3A_796, %eq3A_797 : i32
        %jit3A_799 = arith.constant 1 : i32
        %select_n3A_800 = arith.select %eq3A_798, %jit3A_799, %jit3A_796 : i32
        %rem3A_801 = arith.remsi %add3A_767, %select_n3A_800 : i32
        %ne3A_802 = arith.constant 0 : i32
        %ne3A_803 = arith.cmpi ne, %rem3A_801, %ne3A_802 : i32
        %lt3A_804 = arith.constant 0 : i32
        %lt3A_805 = arith.cmpi slt, %rem3A_801, %lt3A_804 : i32
        %lt3A_806 = arith.constant 0 : i32
        %lt3A_807 = arith.cmpi slt, %select_n3A_800, %lt3A_806 : i32
        %ne3A_808 = arith.xori %lt3A_805, %lt3A_807 : i1
        %and3A_809 = arith.andi %ne3A_808, %ne3A_803 : i1
        %add3A_810 = arith.addi %rem3A_801, %select_n3A_800 : i32
        %select_n3A_811 = arith.select %and3A_809, %add3A_810, %rem3A_801 : i32
        %eq3A_812 = vector.broadcast %select_n3A_811 : i32 to vector<16xi32>
        %eq3A_813 = arith.cmpi eq, %iota3A, %eq3A_812 : vector<16xi32>
        %jit3A_814 = arith.constant 0 : i32
        %broadcast_in_dim3A_815 = vector.broadcast %jit3A_814 : i32 to vector<16xi32>
        %select_n3A_816 = arith.select %eq3A_813, %get3A_795, %broadcast_in_dim3A_815 : vector<16xi1>, vector<16xi32>
        %reduce_sum3A_817 = arith.constant true
        %reduce_sum3A_818 = vector.broadcast %reduce_sum3A_817 : i1 to vector<16xi1>
        %reduce_sum3A_819 = tpu.scan <sum>, %select_n3A_816 masked %reduce_sum3A_818 : vector<16xi32>, vector<16xi1> -> vector<16xi32>
        %reduce_sum3A_820 = vector.extract %reduce_sum3A_819[15] : i32 from vector<16xi32>
        %dma_start3A_821 = arith.constant 0 : i32
        %dma_start3A_822 = tpu.memref_slice %arg2[%reduce_sum3A_820, %dma_start3A_821] : memref<8192x8192xf32, #tpu.memory_space<hbm>> -> memref<1x8192xf32, #tpu.memory_space<hbm>>
        %dma_start3A_823 = tpu.memref_squeeze %dma_start3A_822 : memref<1x8192xf32, #tpu.memory_space<hbm>> -> memref<8192xf32, #tpu.memory_space<hbm>>
        %dma_start3A_824 = arith.constant 0 : i32
        %dma_start3A_825 = tpu.memref_slice %arg2[%reduce_sum3A_820, %dma_start3A_824] : memref<8192x8192xf32, #tpu.memory_space<hbm>> -> memref<1x8192xf32, #tpu.memory_space<hbm>>
        %dma_start3A_826 = tpu.memref_squeeze %dma_start3A_825 : memref<1x8192xf32, #tpu.memory_space<hbm>> -> memref<8192xf32, #tpu.memory_space<hbm>>
        tpu.enqueue_dma source(%dma_start3A_826 : memref<8192xf32, #tpu.memory_space<hbm>>) target(%arg8 : memref<8192xf32, #tpu.memory_space<vmem>>) target_semaphore(%arg16 : memref<!tpu.dma_semaphore, #tpu.memory_space<semaphore_mem>>)
        %mul3A_827 = arith.constant 128 : i32
        %mul3A_828 = arith.muli %add3A, %mul3A_827 : i32
        %mul3A_829 = arith.constant 4 : i32
        %mul3A_830 = arith.muli %add3A_628, %mul3A_829 : i32
        %add3A_831 = arith.addi %mul3A_828, %mul3A_830 : i32
        %add3A_832 = arith.constant 3 : i32
        %add3A_833 = arith.addi %add3A_831, %add3A_832 : i32
        %jit3A_834 = arith.constant 16 : i32
        %div3A_835 = arith.divsi %add3A_833, %jit3A_834 : i32
        %sign3A_836 = arith.constant 0 : i32
        %sign3A_837 = arith.cmpi sgt, %add3A_833, %sign3A_836 : i32
        %sign3A_838 = arith.extui %sign3A_837 : i1 to i32
        %sign3A_839 = arith.constant 0 : i32
        %sign3A_840 = arith.cmpi slt, %add3A_833, %sign3A_839 : i32
        %sign3A_841 = arith.extui %sign3A_840 : i1 to i32
        %sign3A_842 = arith.subi %sign3A_838, %sign3A_841 : i32
        %sign3A_843 = arith.constant 0 : i32
        %sign3A_844 = arith.cmpi sgt, %jit3A_834, %sign3A_843 : i32
        %sign3A_845 = arith.extui %sign3A_844 : i1 to i32
        %sign3A_846 = arith.constant 0 : i32
        %sign3A_847 = arith.cmpi slt, %jit3A_834, %sign3A_846 : i32
        %sign3A_848 = arith.extui %sign3A_847 : i1 to i32
        %sign3A_849 = arith.subi %sign3A_845, %sign3A_848 : i32
        %ne3A_850 = arith.cmpi ne, %sign3A_842, %sign3A_849 : i32
        %rem3A_851 = arith.remsi %add3A_833, %jit3A_834 : i32
        %ne3A_852 = arith.constant 0 : i32
        %ne3A_853 = arith.cmpi ne, %rem3A_851, %ne3A_852 : i32
        %and3A_854 = arith.andi %ne3A_850, %ne3A_853 : i1
        %sub3A_855 = arith.constant 1 : i32
        %sub3A_856 = arith.subi %div3A_835, %sub3A_855 : i32
        %select_n3A_857 = arith.select %and3A_854, %sub3A_856, %div3A_835 : i32
        %mul3A_858 = arith.constant 16 : i32
        %mul3A_859 = arith.muli %select_n3A_857, %mul3A_858 : i32
        %get3A_860 = arith.index_cast %mul3A_859 : i32 to index
        %get3A_861 = tpu.vector_load %arg5[%get3A_860] {strides = array<i32>} : memref<4096xi32, #tpu.memory_space<vmem>>, vector<16xi32>,
        %jit3A_862 = arith.constant 16 : i32
        %eq3A_863 = arith.constant 0 : i32
        %eq3A_864 = arith.cmpi eq, %jit3A_862, %eq3A_863 : i32
        %jit3A_865 = arith.constant 1 : i32
        %select_n3A_866 = arith.select %eq3A_864, %jit3A_865, %jit3A_862 : i32
        %rem3A_867 = arith.remsi %add3A_833, %select_n3A_866 : i32
        %ne3A_868 = arith.constant 0 : i32
        %ne3A_869 = arith.cmpi ne, %rem3A_867, %ne3A_868 : i32
        %lt3A_870 = arith.constant 0 : i32
        %lt3A_871 = arith.cmpi slt, %rem3A_867, %lt3A_870 : i32
        %lt3A_872 = arith.constant 0 : i32
        %lt3A_873 = arith.cmpi slt, %select_n3A_866, %lt3A_872 : i32
        %ne3A_874 = arith.xori %lt3A_871, %lt3A_873 : i1
        %and3A_875 = arith.andi %ne3A_874, %ne3A_869 : i1
        %add3A_876 = arith.addi %rem3A_867, %select_n3A_866 : i32
        %select_n3A_877 = arith.select %and3A_875, %add3A_876, %rem3A_867 : i32
        %eq3A_878 = vector.broadcast %select_n3A_877 : i32 to vector<16xi32>
        %eq3A_879 = arith.cmpi eq, %iota3A, %eq3A_878 : vector<16xi32>
        %jit3A_880 = arith.constant 0 : i32
        %broadcast_in_dim3A_881 = vector.broadcast %jit3A_880 : i32 to vector<16xi32>
        %select_n3A_882 = arith.select %eq3A_879, %get3A_861, %broadcast_in_dim3A_881 : vector<16xi1>, vector<16xi32>
        %reduce_sum3A_883 = arith.constant true
        %reduce_sum3A_884 = vector.broadcast %reduce_sum3A_883 : i1 to vector<16xi1>
        %reduce_sum3A_885 = tpu.scan <sum>, %select_n3A_882 masked %reduce_sum3A_884 : vector<16xi32>, vector<16xi1> -> vector<16xi32>
        %reduce_sum3A_886 = vector.extract %reduce_sum3A_885[15] : i32 from vector<16xi32>
        %dma_start3A_887 = arith.constant 0 : i32
        %dma_start3A_888 = tpu.memref_slice %arg2[%reduce_sum3A_886, %dma_start3A_887] : memref<8192x8192xf32, #tpu.memory_space<hbm>> -> memref<1x8192xf32, #tpu.memory_space<hbm>>
        %dma_start3A_889 = tpu.memref_squeeze %dma_start3A_888 : memref<1x8192xf32, #tpu.memory_space<hbm>> -> memref<8192xf32, #tpu.memory_space<hbm>>
        %dma_start3A_890 = arith.constant 0 : i32
        %dma_start3A_891 = tpu.memref_slice %arg2[%reduce_sum3A_886, %dma_start3A_890] : memref<8192x8192xf32, #tpu.memory_space<hbm>> -> memref<1x8192xf32, #tpu.memory_space<hbm>>
        %dma_start3A_892 = tpu.memref_squeeze %dma_start3A_891 : memref<1x8192xf32, #tpu.memory_space<hbm>> -> memref<8192xf32, #tpu.memory_space<hbm>>
        tpu.enqueue_dma source(%dma_start3A_892 : memref<8192xf32, #tpu.memory_space<hbm>>) target(%arg9 : memref<8192xf32, #tpu.memory_space<vmem>>) target_semaphore(%arg16 : memref<!tpu.dma_semaphore, #tpu.memory_space<semaphore_mem>>)
      } else {
      }
      %gt3A_610 = arith.constant 0 : i32
      %gt3A_611 = arith.cmpi sgt, %scan3A_263, %gt3A_610 : i32
      %convert_element_type3A_612 = arith.extui %gt3A_611 : i1 to i32
      %cond3A_613 = arith.constant 0 : i32
      %cond3A_614 = arith.cmpi ne, %convert_element_type3A_612, %cond3A_613 : i32
      scf.if %cond3A_614 {
        %dma_wait3A_627 = arith.constant 0 : i32
        %dma_wait3A_628 = arith.constant 0 : i32
        %dma_wait3A_629 = tpu.memref_slice %arg4[%dma_wait3A_627, %dma_wait3A_628] : memref<4096x4096xf32, #tpu.memory_space<hbm>> -> memref<4x4096xf32, #tpu.memory_space<hbm>>
        %dma_wait3A_630 = arith.constant 0 : i32
        %dma_wait3A_631 = arith.constant 0 : i32
        %dma_wait3A_632 = tpu.memref_slice %arg4[%dma_wait3A_630, %dma_wait3A_631] : memref<4096x4096xf32, #tpu.memory_space<hbm>> -> memref<4x4096xf32, #tpu.memory_space<hbm>>
        tpu.wait_dma2 semaphore(%arg19 : memref<!tpu.dma_semaphore, #tpu.memory_space<semaphore_mem>>) src(%arg15 : memref<4x4096xf32, #tpu.memory_space<vmem>>) dst(%dma_wait3A_632 : memref<4x4096xf32, #tpu.memory_space<hbm>>)
      } else {
      }
      %parallel_loop3A_615 = arith.constant 0 : i32
      %parallel_loop3A_616 = arith.constant 256 : i32
      %parallel_loop3A_617 = arith.constant 1 : i32
      scf.for %parallel_loop3A_627 = %parallel_loop3A_615 to %parallel_loop3A_616 step %parallel_loop3A_617  : i32 {
        %parallel_loop3A_628 = arith.constant 16 : i32
        %parallel_loop3A_629 = arith.muli %parallel_loop3A_627, %parallel_loop3A_628 : i32
        %parallel_loop3A_630 = arith.index_cast %parallel_loop3A_629 : i32 to index
        %parallel_loop3A_631 = tpu.vector_load %arg5[%parallel_loop3A_630] {strides = array<i32>} : memref<4096xi32, #tpu.memory_space<vmem>>, vector<16xi32>,
        %parallel_loop3A_632 = tpu.vector_load_idx %arg10[%parallel_loop3A_631] : memref<8192xf32, #tpu.memory_space<vmem>>[vector<16xi32>], vector<16xf32>,
        %parallel_loop3A_633 = arith.constant 16 : i32
        %parallel_loop3A_634 = arith.muli %parallel_loop3A_627, %parallel_loop3A_633 : i32
        %parallel_loop3A_635 = arith.constant 0 : i32
        %parallel_loop3A_636 = arith.index_cast %parallel_loop3A_635 : i32 to index
        %parallel_loop3A_637 = arith.index_cast %parallel_loop3A_634 : i32 to index
        %parallel_loop3A_638 = tpu.vector_load %arg15[%parallel_loop3A_636, %parallel_loop3A_637] {strides = array<i32>} : memref<4x4096xf32, #tpu.memory_space<vmem>>, vector<16xf32>,
        tpu.vector_store %arg15[%parallel_loop3A_636, %parallel_loop3A_637], %parallel_loop3A_632 {strides = array<i32>} : memref<4x4096xf32, #tpu.memory_space<vmem>>, vector<16xf32>,
        %parallel_loop3A_639 = tpu.vector_load_idx %arg11[%parallel_loop3A_631] : memref<8192xf32, #tpu.memory_space<vmem>>[vector<16xi32>], vector<16xf32>,
        %parallel_loop3A_640 = arith.constant 16 : i32
        %parallel_loop3A_641 = arith.muli %parallel_loop3A_627, %parallel_loop3A_640 : i32
        %parallel_loop3A_642 = arith.constant 1 : i32
        %parallel_loop3A_643 = arith.index_cast %parallel_loop3A_642 : i32 to index
        %parallel_loop3A_644 = arith.index_cast %parallel_loop3A_641 : i32 to index
        %parallel_loop3A_645 = tpu.vector_load %arg15[%parallel_loop3A_643, %parallel_loop3A_644] {strides = array<i32>} : memref<4x4096xf32, #tpu.memory_space<vmem>>, vector<16xf32>,
        tpu.vector_store %arg15[%parallel_loop3A_643, %parallel_loop3A_644], %parallel_loop3A_639 {strides = array<i32>} : memref<4x4096xf32, #tpu.memory_space<vmem>>, vector<16xf32>,
        %parallel_loop3A_646 = tpu.vector_load_idx %arg12[%parallel_loop3A_631] : memref<8192xf32, #tpu.memory_space<vmem>>[vector<16xi32>], vector<16xf32>,
        %parallel_loop3A_647 = arith.constant 16 : i32
        %parallel_loop3A_648 = arith.muli %parallel_loop3A_627, %parallel_loop3A_647 : i32
        %parallel_loop3A_649 = arith.constant 2 : i32
        %parallel_loop3A_650 = arith.index_cast %parallel_loop3A_649 : i32 to index
        %parallel_loop3A_651 = arith.index_cast %parallel_loop3A_648 : i32 to index
        %parallel_loop3A_652 = tpu.vector_load %arg15[%parallel_loop3A_650, %parallel_loop3A_651] {strides = array<i32>} : memref<4x4096xf32, #tpu.memory_space<vmem>>, vector<16xf32>,
        tpu.vector_store %arg15[%parallel_loop3A_650, %parallel_loop3A_651], %parallel_loop3A_646 {strides = array<i32>} : memref<4x4096xf32, #tpu.memory_space<vmem>>, vector<16xf32>,
        %parallel_loop3A_653 = tpu.vector_load_idx %arg13[%parallel_loop3A_631] : memref<8192xf32, #tpu.memory_space<vmem>>[vector<16xi32>], vector<16xf32>,
        %parallel_loop3A_654 = arith.constant 16 : i32
        %parallel_loop3A_655 = arith.muli %parallel_loop3A_627, %parallel_loop3A_654 : i32
        %parallel_loop3A_656 = arith.constant 3 : i32
        %parallel_loop3A_657 = arith.index_cast %parallel_loop3A_656 : i32 to index
        %parallel_loop3A_658 = arith.index_cast %parallel_loop3A_655 : i32 to index
        %parallel_loop3A_659 = tpu.vector_load %arg15[%parallel_loop3A_657, %parallel_loop3A_658] {strides = array<i32>} : memref<4x4096xf32, #tpu.memory_space<vmem>>, vector<16xf32>,
        tpu.vector_store %arg15[%parallel_loop3A_657, %parallel_loop3A_658], %parallel_loop3A_653 {strides = array<i32>} : memref<4x4096xf32, #tpu.memory_space<vmem>>, vector<16xf32>,
      } {sc.loop_unroll_factor = 16 : i64, sc.parallel_access}
      %mul3A_618 = arith.constant 128 : i32
      %mul3A_619 = arith.muli %add3A, %mul3A_618 : i32
      %mul3A_620 = arith.constant 4 : i32
      %mul3A_621 = arith.muli %add3A_269, %mul3A_620 : i32
      %add3A_622 = arith.addi %mul3A_619, %mul3A_621 : i32
      %dma_start3A_623 = arith.constant 0 : i32
      %dma_start3A_624 = tpu.memref_slice %arg4[%add3A_622, %dma_start3A_623] : memref<4096x4096xf32, #tpu.memory_space<hbm>> -> memref<4x4096xf32, #tpu.memory_space<hbm>>
      %dma_start3A_625 = arith.constant 0 : i32
      %dma_start3A_626 = tpu.memref_slice %arg4[%add3A_622, %dma_start3A_625] : memref<4096x4096xf32, #tpu.memory_space<hbm>> -> memref<4x4096xf32, #tpu.memory_space<hbm>>
      tpu.enqueue_dma source(%arg15 : memref<4x4096xf32, #tpu.memory_space<vmem>>) target(%dma_start3A_626 : memref<4x4096xf32, #tpu.memory_space<hbm>>) target_semaphore(%arg19 : memref<!tpu.dma_semaphore, #tpu.memory_space<semaphore_mem>>)
    }
    %scan3A_251 = arith.constant 16 : i32
    %dma_wait3A = arith.constant 0 : i32
    %dma_wait3A_252 = arith.constant 0 : i32
    %dma_wait3A_253 = tpu.memref_slice %arg4[%dma_wait3A, %dma_wait3A_252] : memref<4096x4096xf32, #tpu.memory_space<hbm>> -> memref<4x4096xf32, #tpu.memory_space<hbm>>
    %dma_wait3A_254 = arith.constant 0 : i32
    %dma_wait3A_255 = arith.constant 0 : i32
    %dma_wait3A_256 = tpu.memref_slice %arg4[%dma_wait3A_254, %dma_wait3A_255] : memref<4096x4096xf32, #tpu.memory_space<hbm>> -> memref<4x4096xf32, #tpu.memory_space<hbm>>
    tpu.wait_dma2 semaphore(%arg18 : memref<!tpu.dma_semaphore, #tpu.memory_space<semaphore_mem>>) src(%arg14 : memref<4x4096xf32, #tpu.memory_space<vmem>>) dst(%dma_wait3A_256 : memref<4x4096xf32, #tpu.memory_space<hbm>>)
    %dma_wait3A_257 = arith.constant 0 : i32
    %dma_wait3A_258 = arith.constant 0 : i32
    %dma_wait3A_259 = tpu.memref_slice %arg4[%dma_wait3A_257, %dma_wait3A_258] : memref<4096x4096xf32, #tpu.memory_space<hbm>> -> memref<4x4096xf32, #tpu.memory_space<hbm>>
    %dma_wait3A_260 = arith.constant 0 : i32
    %dma_wait3A_261 = arith.constant 0 : i32
    %dma_wait3A_262 = tpu.memref_slice %arg4[%dma_wait3A_260, %dma_wait3A_261] : memref<4096x4096xf32, #tpu.memory_space<hbm>> -> memref<4x4096xf32, #tpu.memory_space<hbm>>
    tpu.wait_dma2 semaphore(%arg19 : memref<!tpu.dma_semaphore, #tpu.memory_space<semaphore_mem>>) src(%arg15 : memref<4x4096xf32, #tpu.memory_space<vmem>>) dst(%dma_wait3A_262 : memref<4x4096xf32, #tpu.memory_space<hbm>>)
    return
  }
}

module attributes {stable_mosaic.version = 14 : i64} {
  func.func @_tc_transpose_body(%arg0: i32, %arg1: i32, %arg2: memref<1024x2048xf32, #tpu.memory_space<vmem>>, %arg3: memref<2048x1024xf32, #tpu.memory_space<vmem>>) attributes {dimension_semantics = [#tpu.dimension_semantics<arbitrary>, #tpu.dimension_semantics<arbitrary>], iteration_bounds = array<i64: 2, 4>, scalar_prefetch = 0 : i64, scratch_operands = 0 : i64, tpu.core_type = #tpu.core_type<tc>, window_params = [{transform_indices = @transform_0, window_bounds = array<i64: 1024, 2048>}, {transform_indices = @transform_1, window_bounds = array<i64: 2048, 1024>}]} {
    %get3A = arith.constant 0 : index
    %get3A_0 = arith.constant 0 : index
    %get3A_1 = vector.load %arg2[%get3A, %get3A_0] : memref<1024x2048xf32, #tpu.memory_space<vmem>>, vector<1024x2048xf32>
    %transpose3A = tpu.transpose %get3A_1, [1, 0] : vector<1024x2048xf32> -> vector<2048x1024xf32>
    %swap3A = arith.constant 0 : index
    %swap3A_2 = arith.constant 0 : index
    %swap3A_3 = vector.load %arg3[%swap3A, %swap3A_2] : memref<2048x1024xf32, #tpu.memory_space<vmem>>, vector<2048x1024xf32>
    tpu.vector_store %arg3[%swap3A, %swap3A_2], %transpose3A {strides = array<i32>} : memref<2048x1024xf32, #tpu.memory_space<vmem>>, vector<2048x1024xf32>,
    return
  }
  func.func @transform_0(%arg0: i32, %arg1: i32) -> (i32, i32) {
    %c0_i32 = arith.constant 0 : i32
    return %arg1, %arg0 : i32, i32
  }
  func.func @transform_1(%arg0: i32, %arg1: i32) -> (i32, i32) {
    %c0_i32 = arith.constant 0 : i32
    return %arg0, %arg1 : i32, i32
  }
}

</mosaic_0001>

<sc_bundles>
// kernel: kernel.4.cloned.1.call-start
scs
__scs_entry_jumppad:
0x0: {  	(pc) =	sbr.rel $0x88, $3  }
0x1: {  	(tag) =	ssettag $0x0;
	lr =	simm.s32 $0x1  }
0x2: {  	[smem:$0x3FA0] =	sst lr;
	_ =	strace $0xD0000000  }
0x3: {  	_ = 	snop  }
0x4: {  	_ = 	snop  }
0x5: {  	_ = 	snop  }
0x6: {  	_ = 	snop  }
0x7: {  	_ = 	snop  }
__scs_overlays_trampoline_lowered:
0x8: {  	[smem:$0x3FAF] =	sst s0  }
0x9: {  	[smem:$0x3FB0] =	sst s1  }
0xa: {  	[smem:$0x3FB1] =	sst s2  }
0xb: {  	[smem:$0x3FB2] =	sst s3  }
0xc: {  	[smem:$0x3FB3] =	sst s4  }
0xd: {  	[smem:$0x3FB4] =	sst s5  }
0xe: {  	[smem:$0x3FB5] =	sst s6  }
0xf: {  	[smem:$0x3FB6] =	sst s7  }
0x10: {  	[smem:$0x3FB7] =	sst s8  }
0x11: {  	[smem:$0x3FB8] =	sst s9;
	s0 =	simm.s32 @!p0 $0x0  }
0x12: {  	s1 =	sld [smem:$0x3F9E];
	s0 =	simm.s32 @p0 $0x1  }
0x13: {  	[smem:$0x3FB9] =	sst s0;
	s0 =	simm.s32 @!p1 $0x0  }
0x14: {  	s2 =	sld [smem:$0x3F9D];
	s0 =	simm.s32 @p1 $0x1  }
0x15: {  	[smem:$0x3FBA] =	sst s0;
	s0 =	simm.s32 @!p2 $0x0  }
0x16: {  	s3 =	sld [smem:$0x3FDB];
	s0 =	simm.s32 @p2 $0x1  }
0x17: {  	s4 =	simm.s32 $0x1BF5;
	[smem:$0x3FBC] =	sst s0  }
0x18: {  	s0 =	sld [smem:$0x3F9F];
	_ =	swait.ge [sflag:s4], $0x0  }
0x19: {  	s7 =	sld [smem:$0x3FA0]  }
0x1a: {  	s8 =	sadd.s32 $0xFFFFE003, lr  }
0x1b: {  	s9 =	sadd.s32 $0xFFFFFEF7, lr;
	s5 =	simm.s32 $0xFFFFFFFF;
	p2 =	slt.u32 s8, $0xFFFFF086  }
0x1c: {  	p1 =	slt.u32 s9, $0xF7A;
	s5 =	simm.s32 @!p2 $0x0  }
0x1d: {  	s5 =	simm.s32 @p1 $0x1;
	p0 =	seq.s32 s7, s2  }
0x1e: {  	s7 =	smul.u32 @!p0 $0xF7A, s2;
	p2 =	seq.s32 @!p0 s5, $0x0  }
0x1f: {  	s9 =	smul.u32 $0xF7A, s1;
	s8 =	simm.s32 @!p0 $0x1BF5;
	p2 =	por !p2, p0  }
0x20: {  	[sflag:s8] =	ssyncset.s32 @!p0 $0xFFFFF086;
	s6 =	sadd.s32 @!p0 s3, s7;
	s7 =	simm.s32 @!p0 $0x108  }
0x21: {  	s3 =	sadd.s32 s3, s9;
	s6 =	sadd.s32 @!p0 $0x88, s6;
	s7 =	simm.s32 @p2 $0x1082  }
0x22: {  	[simem:s7], [sflag:s8] =	dma.local @!p0 [hbm:s6], $0xF7A  }
0x23: {  	s9 =	sor.u32 $0xD0000000, s2;
	s6 =	simm.s32 $0x108;
	_ =	swait.ge @!p0 [sflag:s8], $0x0  }
0x24: {  	s3 =	sadd.s32 $0x88, s3;
	s6 =	simm.s32 @!p1 $0x1082;
	[sflag:s4] =	ssyncset.s32 $0xFFFFF086  }
0x25: {  	[simem:s6], [sflag:s4] =	dma.local [hbm:s3], $0xF7A  }
0x26: {  	[smem:$0x3FA0] =	sst s1;
	(tag) =	ssettag s2;
	_ =	strace s9  }
0x27: {  	s1 =	sld [smem:$0x3FB0]  }
0x28: {  	s2 =	sld [smem:$0x3FB1]  }
0x29: {  	s4 =	sld [smem:$0x3FB3]  }
0x2a: {  	p0 =	seq.s32 s5, $0x0;
	s5 =	sld [smem:$0x3FB4]  }
0x2b: {  	s6 =	sld [smem:$0x3FB5]  }
0x2c: {  	s7 =	sld [smem:$0x3FB6]  }
0x2d: {  	s3 =	simm.s32 $0x108;
	s8 =	sld [smem:$0x3FB7]  }
0x2e: {  	s3 =	simm.s32 @!p0 $0x1082;
	s9 =	sld [smem:$0x3FB8]  }
0x2f: {  	lr =	sadd.s32 s0, s3;
	s0 =	sld [smem:$0x3FAF]  }
0x30: {  	s3 =	sld [smem:$0x3FB2]  }
0x31: {  	[smem:$0x3FBB] =	sst s10  }
0x32: {  	s10 =	sld [smem:$0x3FB9];
	_ =	sdelay $0x3  }
0x33: {  	p0 =	seq.s32 s10, $0x1;
	s10 =	sld [smem:$0x3FBB];
	_ =	sdelay $0x3  }
0x34: {  	[smem:$0x3FBB] =	sst s10  }
0x35: {  	s10 =	sld [smem:$0x3FBA];
	_ =	sdelay $0x3  }
0x36: {  	p1 =	seq.s32 s10, $0x1;
	s10 =	sld [smem:$0x3FBB];
	_ =	sdelay $0x3  }
0x37: {  	[smem:$0x3FBB] =	sst s10  }
0x38: {  	s10 =	sld [smem:$0x3FBC]  }
0x39: {  	_ = 	snop;
	(pc) =	sbr.ind lr, $3  }
0x3a: {  	_ = 	snop  }
0x3b: {  	_ = 	snop  }
0x3c: {  	p2 =	seq.s32 s10, $0x1;
	s10 =	sld [smem:$0x3FBB]  }
0x3d: {  	_ =	shalt  }
0x3e: {  	_ =	shalt  }
0x3f: {  	_ =	shalt  }
0x40: {  	_ =	shalt  }
0x41: {  	_ =	shalt  }
0x42: {  	_ =	shalt  }
0x43: {  	_ =	shalt  }
0x44: {  	_ =	shalt  }
0x45: {  	_ =	shalt  }
0x46: {  	_ =	shalt  }
0x47: {  	_ =	shalt  }
0x48: {  	_ =	shalt  }
0x49: {  	_ =	shalt  }
0x4a: {  	_ =	shalt  }
0x4b: {  	_ =	shalt  }
0x4c: {  	_ =	shalt  }
0x4d: {  	_ =	shalt  }
0x4e: {  	_ =	shalt  }
0x4f: {  	_ =	shalt  }
0x50: {  	_ =	shalt  }
0x51: {  	_ =	shalt  }
0x52: {  	_ =	shalt  }
0x53: {  	_ =	shalt  }
0x54: {  	_ =	shalt  }
0x55: {  	_ =	shalt  }
0x56: {  	_ =	shalt  }
0x57: {  	_ =	shalt  }
0x58: {  	_ =	shalt  }
0x59: {  	_ =	shalt  }
0x5a: {  	_ =	shalt  }
0x5b: {  	_ =	shalt  }
0x5c: {  	_ =	shalt  }
0x5d: {  	_ =	shalt  }
0x5e: {  	_ =	shalt  }
0x5f: {  	_ =	shalt  }
0x60: {  	_ =	shalt  }
0x61: {  	_ =	shalt  }
0x62: {  	_ =	shalt  }
0x63: {  	_ =	shalt  }
0x64: {  	_ =	shalt  }
0x65: {  	_ =	shalt  }
0x66: {  	_ =	shalt  }
0x67: {  	_ =	shalt  }
0x68: {  	_ =	shalt  }
0x69: {  	_ =	shalt  }
0x6a: {  	_ =	shalt  }
0x6b: {  	_ =	shalt  }
0x6c: {  	_ =	shalt  }
0x6d: {  	_ =	shalt  }
0x6e: {  	_ =	shalt  }
0x6f: {  	_ =	shalt  }
0x70: {  	_ =	shalt  }
0x71: {  	_ =	shalt  }
0x72: {  	_ =	shalt  }
0x73: {  	_ =	shalt  }
0x74: {  	_ =	shalt  }
0x75: {  	_ =	shalt  }
0x76: {  	_ =	shalt  }
0x77: {  	_ =	shalt  }
0x78: {  	_ =	shalt  }
0x79: {  	_ =	shalt  }
0x7a: {  	_ =	shalt  }
0x7b: {  	_ =	shalt  }
0x7c: {  	_ =	shalt  }
0x7d: {  	_ =	shalt  }
0x7e: {  	_ =	shalt  }
0x7f: {  	_ =	shalt  }
0x80: {  	_ =	shalt  }
0x81: {  	_ =	shalt  }
0x82: {  	_ =	shalt  }
0x83: {  	_ =	shalt  }
0x84: {  	_ =	shalt  }
0x85: {  	_ =	shalt  }
0x86: {  	_ =	shalt  }
0x87: {  	_ =	shalt  }
.Lfunc_end0:
.L_simem_size_0:
called_computation_lowered:
.L_overlay_start_0:
0x88: {  	s2 =	sld [smem:$0x3FD9]  }
0x89: {  	s3 =	sld [smem:$0x3FFE];
	_ =	sdelay $0x1  }
0x8a: {  	s1 =	srdreg.scid  }
0x8b: {  	s0 =	sand.u32 $0x1, s1  }
0x8c: {  	s14 =	sshll.u32 s0, $0xA;
	s2 =	sadd.s32 s3, s2  }
0x8d: {  	s2 =	sadd.s32 s2, s14  }
0x8e: {  	[smem:$0x3FC7] =	sst s2  }
0x8f: {  	_ = 	snop  }
0x90: {  	s2 =	sld [smem:$0x3FD0];
	_ =	sdelay $0x2  }
0x91: {  	s4 =	simm.s32 $0xA;
	s5 =	simm.s32 $0x10;
	s15 =	sld [smem:$0x3FC9]  }
0x92: {  	[smem:s5], [sflag:s4] =	dma.local [hbm:s2], $0x1  }
0x93: {  	_ =	swait.eq [sflag:s4], $0x1  }
0x94: {  	[sflag:s4] =	ssyncset.done $0x0  }
0x95: {  	[sflag:s4] =	ssyncadd.s32 $0xFFFFFFFF  }
0x96: {  	s16 =	sld [smem:$0x11];
	(tm) =	ssettm $0x1  }
0x97: {  	s17 =	sld [smem:$0x3FFB];
	_ =	sdelay $0x3  }
0x98: {  	_ =	strace s17  }
0x99: {  	s4 =	sld [smem:$0x3FFC];
	_ =	sdelay $0x3  }
0x9a: {  	_ =	strace s4  }
0x9b: {  	s4 =	sld [smem:$0x3FFD];
	_ =	sdelay $0x3  }
0x9c: {  	_ =	strace s4  }
0x9d: {  	_ =	strace $0x8FFFFFFF  }
0x9e: {  	s18 =	sld [smem:$0x3FDB];
	_ =	sdelay $0x1  }
0x9f: {  	s19 =	simm.s32 $_scs_section_size  }
0xa0: {  	s6 =	simm.s32 $_size__tile_overlayer_lowered;
	s7 =	simm.s32 $_tile_overlayer_lowered  }
0xa1: {  	s22 =	simm.s32 $0x1BFF;
	s21 =	sshll.u32 s7, $0x1;
	s4 =	sadd.s32 s19, s18  }
0xa2: {  	s8 =	simm.s32 $0x0;
	s20 =	sshll.u32 s6, $0x1;
	s6 =	sadd.s32 s21, s4  }
0xa3: {  	[timem:s8], [sflag:s22] =	dma.local [hbm:s6], s20  }
0xa4: {  	_ =	swait.ge [sflag:s22], s20  }
0xa5: {  	s5 =	ssub.s32 $0x0, s20;
	[sflag:s22] =	ssyncset.done $0x0  }
0xa6: {  	[sflag:s22] =	ssyncadd.s32 s5;
	_ =	sdelay $0x1  }
0xa7: {  	s23 =	simm.s32 $0x1B8B  }
0xa8: {  	_ =	swait.ge [sflag:s23], $0x1  }
0xa9: {  	[sflag:s23] =	ssyncset.done $0x0  }
0xaa: {  	s25 =	simm.s32 $0x1B8E;
	s24 =	sld [smem:$0x3FFE];
	[sflag:s23] =	ssyncadd.s32 $0xFFFFFFFF  }
0xab: {  	s26 =	simm.s32 $execute0_lowered;
	[smem:$0x3FD2] =	sst s25  }
0xac: {  	s6 =	sshll.u32 s26, $0x1;
	_ =	strace $0x80000046;
	[dreg:$0x1] =	wrdreg $0xFFFFFFFF  }
0xad: {  	s28 =	simm.s32 $_size_execute0_lowered;
	s4 =	sadd.s32 s4, s6;
	[dreg:$0x0] =	wrdreg $0x0  }
0xae: {  	s6 =	sshll.u32 s28, $0x1;
	[dreg:$0x2] =	wrdreg s4  }
0xaf: {  	[dreg:$0x3] =	wrdreg s6  }
0xb0: {  	[dreg:$0x4] =	wrdreg $0xC0  }
0xb1: {  	_ =	task [dreg:s8], $0x5FFFF  }
0xb2: {  	[dreg:$0x1] =	wrdreg $0xFFFFFFFF  }
0xb3: {  	[dreg:$0x0] =	wrdreg $0x60  }
0xb4: {  	[dreg:$0x2] =	wrdreg s15  }
0xb5: {  	[dreg:$0x3] =	wrdreg s16  }
0xb6: {  	[dreg:$0x4] =	wrdreg s24  }
0xb7: {  	[dreg:$0x5] =	wrdreg $0x9  }
0xb8: {  	_ =	task.clear_ibuf [dreg:s8], $0x6FFFF;
	_ =	strace $0x90000046  }
0xb9: {  	s29 =	simm.s32 $0x9;
	_ =	strace $0x80000048  }
0xba: {  	_ =	swait.ge [sflag:s29], $0x1  }
0xbb: {  	[sflag:s29] =	ssyncadd.s32 $0xFFFFFFFF  }
0xbc: {  	_ =	strace $0x90000048  }
0xbd: {  	_ =	sfence  }
0xbe: {  	s30 =	sld [smem:$0x0];
	_ =	sdelay $0x2  }
0xbf: {  	s31 =	sshll.u32 s1, $0xD;
	s1 =	sshrl.u32 s1, $0x2  }
0xc0: {  	s3 =	sand.u32 $0x4000, s31;
	s1 =	sadd.s32 s1, s30  }
0xc1: {  	s0 =	sor.u32 s3, s0;
	s1 =	sshll.u32 s1, $0x11  }
0xc2: {  	s0 =	sor.u32 s1, s0  }
0xc3: {  	s0 =	sadd.s32 $0x8F2B, s0  }
0xc4: {  	[sflag:s0] =	ssyncadd.remote.s32 $0x1  }
0xc5: {  	_ =	sfence.sel $0xFFFF  }
0xc6: {  	[dreg:$0x0] =	wrdreg $0xFFFFFFFF;
	(pc) =	sbr.abs _section_cstart, $3  }
0xc7: {  	[dreg:$0x1] =	wrdreg $0xFFFFFFFF  }
0xc8: {  	_ =	task.clear_ibuf [dreg:s8], $0x2FFFF;
	_ =	strace $0x9FFFFFFF  }
0xc9: {  	(tm) =	ssettm $0x7FFFFFFF  }
tec
execute0_lowered:
.L_overlay_start_1:
0x0: {  	(tag) =	ssettag $0x1  }
0x1: {  	s1 =	rddreg [dreg:$0x0]  }
0x2: {  	s0 =	rddreg [dreg:$0x2]  }
0x3: {  	s3 =	simm.s32 $0x0;
	s2 =	srdreg.scid;
	s5 =	stileid.u32  }
0x4: {  	s11 =	simm.s32 $0x80;
	s12 =	simm.s32 $0x400;
	s13 =	simm.s32 $0x1000  }
0x5: {  	s15 =	simm.s32 $0x3000;
	s16 =	simm.s32 $0x5000;
	s17 =	simm.s32 $0x7000  }
0x6: {  	s18 =	simm.s32 $0x1;
	s19 =	simm.s32 $0x9000;
	s20 =	simm.s32 $0xB000  }
0x7: {  	s21 =	simm.s32 $0xD000;
	s22 =	simm.s32 $0xF000;
	s23 =	simm.s32 $0x200  }
0x8: {  	s24 =	simm.s32 $0x11000;
	s25 =	simm.s32 $0x2;
	s26 =	simm.s32 $0x15000  }
0x9: {  	s29 =	simm.s32 $0x4;
	s30 =	simm.s32 $0x0;
	s2 =	sand.u32 $0x1, s2  }
0xa: {  	[smem:$0x7FF] =	sst s3;
	s6 =	sshll.u32 s5, $0x8;
	s28 =	ssub.s32 $0x2, s2  }
0xb: {  	s5 =	sadd.s32 $0x600, s0;
	s2 =	sshll.u32 s2, $0x7;
	s4 =	sshrl.u32 s28, $0x1  }
0xc: {  	s8 =	sadd.s32 $0x640, s0;
	s6 =	sor.u32 s2, s6;
	s3 =	ssub.s32 s28, s4  }
0xd: {  	vm0 =	vmmov $0x1;
	vm1 =	vcmask $0x308;
	_ =	strace $0x80000047;
	s2 =	sshll.u32 s6, $0x2;
	s31 =	smax.u32 s3, $0x1  }
0xe: {  	vm2 =	vcmask $0x70C;
	vm3 =	vcmask $0xB10;
	v0 =	vlaneseq.u32;
	s7 =	sshrl.u32 s6, $0x3;
	s14 =	sshrl.u32 s2, $0x2;
	[dreg:$0x4] =	wrdreg s31  }
.LBB2_1:
0xf: {  	s0 =	rddreg [dreg:$0x1];
	s2 =	simm.s32 $0x0;
	s9 =	simm.s32 $0x5  }
0x10: {  	[tilespmem:s2], [sflag:$0x5] =	stream.linear.gather [hbm4b:s0+s2], $0x1000, $0x38;
	[tilespmem:$0x19000] =	vst v63  }
0x11: {  	_ =	swait.ge [sflag:s9], $0x1000  }
0x12: {  	[sflag:s9] =	ssyncset.done $0x0  }
0x13: {  	[sflag:s9] =	ssyncadd.s32 $0xFFFFF000  }
0x14: {  	v1 =	vld [tilespmem:s6+$0x0];
	_ =	sdelay $0x4  }
0x15: {  	v1 =	vnsel vm0, $0x0, v1  }
0x16: {  	(xrf0) =	vadd.scan.msk.s32 $0xffff, v1;
	_ =	sdelay $0x5  }
0x17: {  	v1, _, _ =	vpop (xrf0)  }
0x18: {  	(v2sf) =	vpush v1, $0xF;
	_ =	sdelay $0xe  }
0x19: {  	s10 =	spop (v2sf)  }
0x1a: {  	s28 =	sshll.u32 s10, $0xD;
	s0 =	sshll.u32 s10, $0x7  }
0x1b: {  	s2 =	sand.u32 $0xFFFF0000, s28;
	s0 =	sand.u32 $0x380, s0  }
0x1c: {  	s0 =	sor.u32 s0, s2  }
0x1d: {  	s0 =	sshrl.u32 s0, $0x3  }
0x1e: {  	s0 =	sadd.s32 s1, s0  }
0x1f: {  	[tilespmem:s13], [sflag:$0x1] =	stream.strided.gather [hbm4b:s0+s11], $0x2000, s12, s11, $0x38;
	[tilespmem:$0x19000] =	vst v63  }
0x20: {  	v1 =	vld [tilespmem:s14+$0x0];
	_ =	sdelay $0x4  }
0x21: {  	v1 =	vsel vm1, $0x0, v1  }
0x22: {  	(xrf0) =	vadd.scan.msk.s32 $0xffff, v1;
	_ =	sdelay $0x5  }
0x23: {  	v1, _, _ =	vpop (xrf0)  }
0x24: {  	(v2sf) =	vpush v1, $0xF;
	_ =	sdelay $0xe  }
0x25: {  	s2 =	spop (v2sf)  }
0x26: {  	s3 =	sshll.u32 s2, $0xD;
	s0 =	sshll.u32 s2, $0x7  }
0x27: {  	s2 =	sand.u32 $0xFFFF0000, s3;
	s0 =	sand.u32 $0x380, s0  }
0x28: {  	s0 =	sor.u32 s0, s2  }
0x29: {  	s0 =	sshrl.u32 s0, $0x3  }
0x2a: {  	s0 =	sadd.s32 s1, s0  }
0x2b: {  	[tilespmem:s15], [sflag:$0x1] =	stream.strided.gather [hbm4b:s0+s11], $0x2000, s12, s11, $0x38;
	[tilespmem:$0x19000] =	vst v63  }
0x2c: {  	v1 =	vld [tilespmem:s14+$0x0];
	_ =	sdelay $0x4  }
0x2d: {  	v1 =	vsel vm2, $0x0, v1  }
0x2e: {  	(xrf0) =	vadd.scan.msk.s32 $0xffff, v1;
	_ =	sdelay $0x5  }
0x2f: {  	v1, _, _ =	vpop (xrf0)  }
0x30: {  	(v2sf) =	vpush v1, $0xF;
	_ =	sdelay $0xe  }
0x31: {  	s4 =	spop (v2sf)  }
0x32: {  	s9 =	sshll.u32 s4, $0xD;
	s0 =	sshll.u32 s4, $0x7  }
0x33: {  	s2 =	sand.u32 $0xFFFF0000, s9;
	s0 =	sand.u32 $0x380, s0  }
0x34: {  	s0 =	sor.u32 s0, s2  }
0x35: {  	s0 =	sshrl.u32 s0, $0x3  }
0x36: {  	s0 =	sadd.s32 s1, s0  }
0x37: {  	[tilespmem:s16], [sflag:$0x1] =	stream.strided.gather [hbm4b:s0+s11], $0x2000, s12, s11, $0x38;
	[tilespmem:$0x19000] =	vst v63  }
0x38: {  	v1 =	vld [tilespmem:s14+$0x0];
	_ =	sdelay $0x4  }
0x39: {  	v1 =	vsel vm3, $0x0, v1  }
0x3a: {  	(xrf0) =	vadd.scan.msk.s32 $0xffff, v1;
	_ =	sdelay $0x5  }
0x3b: {  	v1, _, _ =	vpop (xrf0)  }
0x3c: {  	(v2sf) =	vpush v1, $0xF;
	_ =	sdelay $0xe  }
0x3d: {  	s10 =	spop (v2sf)  }
0x3e: {  	s28 =	sshll.u32 s10, $0xD;
	s0 =	sshll.u32 s10, $0x7  }
0x3f: {  	s2 =	sand.u32 $0xFFFF0000, s28;
	s0 =	sand.u32 $0x380, s0  }
0x40: {  	s0 =	sor.u32 s0, s2  }
0x41: {  	s0 =	sshrl.u32 s0, $0x3  }
0x42: {  	s31 =	simm.s32 $0x0;
	s0 =	sadd.s32 s1, s0  }
0x43: {  	[tilespmem:s17], [sflag:$0x1] =	stream.strided.gather [hbm4b:s0+s11], $0x2000, s12, s11, $0x38;
	[tilespmem:$0x19000] =	vst v63  }
.LBB2_2:
0x44: {  	_ =	swait.ge [sflag:s18], $0x2000  }
0x45: {  	[sflag:s18] =	ssyncset.done $0x0  }
0x46: {  	[sflag:s18] =	ssyncadd.s32 $0xFFFFE000  }
0x47: {  	_ =	swait.ge [sflag:s18], $0x2000  }
0x48: {  	[sflag:s18] =	ssyncset.done $0x0  }
0x49: {  	[sflag:s18] =	ssyncadd.s32 $0xFFFFE000  }
0x4a: {  	_ =	swait.ge [sflag:s18], $0x2000  }
0x4b: {  	[sflag:s18] =	ssyncset.done $0x0  }
0x4c: {  	s4 =	sshll.u32 s31, $0x3;
	[sflag:s18] =	ssyncadd.s32 $0xFFFFE000  }
0x4d: {  	s2 =	sor.u32 $0x4, s4;
	_ =	swait.ge [sflag:s18], $0x2000  }
0x4e: {  	s0 =	sor.u32 s6, s2;
	[sflag:s18] =	ssyncset.done $0x0  }
0x4f: {  	s3 =	sand.u32 $0xFF0, s0;
	[sflag:s18] =	ssyncadd.s32 $0xFFFFE000  }
0x50: {  	v1 =	vld [tilespmem:s3+$0x0];
	_ =	sdelay $0x1  }
0x51: {  	s2 =	sand.u32 $0xC, s2  }
0x52: {  	v2 =	vmov s2  }
0x53: {  	vm4 =	veq.s32 v2, v0  }
0x54: {  	v1 =	vnsel vm4, $0x0, v1  }
0x55: {  	(xrf0) =	vadd.scan.msk.s32 $0xffff, v1;
	_ =	sdelay $0x5  }
0x56: {  	v1, _, _ =	vpop (xrf0)  }
0x57: {  	(v2sf) =	vpush v1, $0xF;
	_ =	sdelay $0xe  }
0x58: {  	s28 =	spop (v2sf)  }
0x59: {  	s9 =	sshll.u32 s28, $0xD;
	s2 =	sshll.u32 s28, $0x7  }
0x5a: {  	s9 =	sand.u32 $0xFFFF0000, s9;
	s2 =	sand.u32 $0x380, s2  }
0x5b: {  	s2 =	sor.u32 s2, s9  }
0x5c: {  	s2 =	sshrl.u32 s2, $0x3  }
0x5d: {  	s2 =	sadd.s32 s1, s2  }
0x5e: {  	[tilespmem:s19], [sflag:$0x2] =	stream.strided.gather [hbm4b:s2+s11], $0x2000, s12, s11, $0x38;
	[tilespmem:$0x19000] =	vst v63  }
0x5f: {  	v1 =	vld [tilespmem:s3+$0x0]  }
0x60: {  	s2 =	sand.u32 $0x8, s4  }
0x61: {  	s10 =	sor.u32 $0x5, s2  }
0x62: {  	v2 =	vmov s10  }
0x63: {  	vm4 =	veq.s32 v2, v0  }
0x64: {  	v1 =	vnsel vm4, $0x0, v1  }
0x65: {  	(xrf0) =	vadd.scan.msk.s32 $0xffff, v1;
	_ =	sdelay $0x5  }
0x66: {  	v1, _, _ =	vpop (xrf0)  }
0x67: {  	(v2sf) =	vpush v1, $0xF;
	_ =	sdelay $0xe  }
0x68: {  	s28 =	spop (v2sf)  }
0x69: {  	s10 =	sshll.u32 s28, $0xD;
	s9 =	sshll.u32 s28, $0x7  }
0x6a: {  	s10 =	sand.u32 $0xFFFF0000, s10;
	s9 =	sand.u32 $0x380, s9  }
0x6b: {  	s9 =	sor.u32 s9, s10  }
0x6c: {  	s9 =	sshrl.u32 s9, $0x3  }
0x6d: {  	s9 =	sadd.s32 s1, s9  }
0x6e: {  	[tilespmem:s20], [sflag:$0x2] =	stream.strided.gather [hbm4b:s9+s11], $0x2000, s12, s11, $0x38;
	[tilespmem:$0x19000] =	vst v63  }
0x6f: {  	v1 =	vld [tilespmem:s3+$0x0];
	_ =	sdelay $0x1  }
0x70: {  	s28 =	sor.u32 $0x6, s2  }
0x71: {  	v2 =	vmov s28  }
0x72: {  	vm4 =	veq.s32 v2, v0  }
0x73: {  	v1 =	vnsel vm4, $0x0, v1  }
0x74: {  	(xrf0) =	vadd.scan.msk.s32 $0xffff, v1;
	_ =	sdelay $0x5  }
0x75: {  	v1, _, _ =	vpop (xrf0)  }
0x76: {  	(v2sf) =	vpush v1, $0xF;
	_ =	sdelay $0xe  }
0x77: {  	s10 =	spop (v2sf)  }
0x78: {  	s28 =	sshll.u32 s10, $0xD;
	s9 =	sshll.u32 s10, $0x7  }
0x79: {  	s10 =	sand.u32 $0xFFFF0000, s28;
	s9 =	sand.u32 $0x380, s9  }
0x7a: {  	s9 =	sor.u32 s9, s10  }
0x7b: {  	s9 =	sshrl.u32 s9, $0x3  }
0x7c: {  	s9 =	sadd.s32 s1, s9  }
0x7d: {  	[tilespmem:s21], [sflag:$0x2] =	stream.strided.gather [hbm4b:s9+s11], $0x2000, s12, s11, $0x38;
	[tilespmem:$0x19000] =	vst v63  }
0x7e: {  	v1 =	vld [tilespmem:s3+$0x0];
	_ =	sdelay $0x1  }
0x7f: {  	s2 =	sor.u32 $0x7, s2  }
0x80: {  	v2 =	vmov s2  }
0x81: {  	vm4 =	veq.s32 v2, v0  }
0x82: {  	v1 =	vnsel vm4, $0x0, v1  }
0x83: {  	(xrf0) =	vadd.scan.msk.s32 $0xffff, v1;
	_ =	sdelay $0x5  }
0x84: {  	v1, _, _ =	vpop (xrf0)  }
0x85: {  	(v2sf) =	vpush v1, $0xF;
	_ =	sdelay $0xe  }
0x86: {  	s9 =	spop (v2sf)  }
0x87: {  	s10 =	sshll.u32 s9, $0xD;
	s2 =	sshll.u32 s9, $0x7  }
0x88: {  	s3 =	sand.u32 $0xFFFF0000, s10;
	s2 =	sand.u32 $0x380, s2  }
0x89: {  	s2 =	sor.u32 s2, s3  }
0x8a: {  	s2 =	sshrl.u32 s2, $0x3  }
0x8b: {  	p0 =	seq.s32 s31, $0x0;
	s2 =	sadd.s32 s1, s2  }
0x8c: {  	[tilespmem:s22], [sflag:$0x2] =	stream.strided.gather [hbm4b:s2+s11], $0x2000, s12, s11, $0x38;
	[tilespmem:$0x19000] =	vst v63  }
0x8d: {  	s2 =	simm.s32 @!p0 $0x3  }
0x8e: {  	_ =	swait.ge @!p0 [sflag:s2], $0x4000  }
0x8f: {  	[sflag:s2] =	ssyncset.done @!p0 $0x0  }
0x90: {  	s28 =	simm.s32 $0x80;
	[sflag:s2] =	ssyncadd.s32 @!p0 $0xFFFFC000  }
0x91: {  	v1 =	vld [tilespmem:s28+$0x70]  }
0x92: {  	v2 =	vld [tilespmem:s28+$0xFFFFFF90]  }
0x93: {  	v3 =	vld [tilespmem:s28+$0xFFFFFFA0]  }
0x94: {  	v4 =	vld [tilespmem:s28+$0xFFFFFFB0]  }
0x95: {  	v5 =	vld [tilespmem:s28+$0xFFFFFFC0]  }
0x96: {  	v6 =	vld [tilespmem:s28+$0xFFFFFFD0]  }
0x97: {  	v7 =	vld [tilespmem:s28+$0xFFFFFFE0]  }
0x98: {  	v8 =	vld [tilespmem:s28+$0xFFFFFFF0]  }
0x99: {  	v10 =	vld [tilespmem:s28+$0x0]  }
0x9a: {  	v11 =	vld [tilespmem:s28+$0x10]  }
0x9b: {  	v12 =	vld [tilespmem:s28+$0x20]  }
0x9c: {  	v13 =	vld [tilespmem:s28+$0x30]  }
0x9d: {  	v14 =	vld [tilespmem:s28+$0x40]  }
0x9e: {  	v15 =	vld [tilespmem:s28+$0x50]  }
0x9f: {  	v16 =	vld [tilespmem:s28+$0x60]  }
0xa0: {  	v17 =	vld [tilespmem:s28+$0xFFFFFF80]  }
0xa1: {  	v9 =	vld.idx.msk [tilespmem:v1+s13+$0x0], $0xffff  }
0xa2: {  	v18 =	vld.idx.msk [tilespmem:v2+s13+$0x0], $0xffff  }
0xa3: {  	v19 =	vld.idx.msk [tilespmem:v3+s13+$0x0], $0xffff  }
0xa4: {  	v20 =	vld.idx.msk [tilespmem:v4+s13+$0x0], $0xffff  }
0xa5: {  	v21 =	vld.idx.msk [tilespmem:v5+s13+$0x0], $0xffff  }
0xa6: {  	s2 =	simm.s32 $0x11200;
	v22 =	vld.idx.msk [tilespmem:v6+s13+$0x0], $0xffff  }
0xa7: {  	v31 =	vld.idx.msk [tilespmem:v7+s13+$0x0], $0xffff;
	[tilespmem:s2+$0x70] =	vst v9  }
0xa8: {  	v23 =	vld.idx.msk [tilespmem:v17+s13+$0x0], $0xffff;
	[tilespmem:s2+$0xFFFFFE10] =	vst v18  }
0xa9: {  	v32 =	vld.idx.msk [tilespmem:v8+s13+$0x0], $0xffff;
	[tilespmem:s2+$0xFFFFFE20] =	vst v19  }
0xaa: {  	v33 =	vld.idx.msk [tilespmem:v10+s13+$0x0], $0xffff;
	[tilespmem:s2+$0xFFFFFE30] =	vst v20  }
0xab: {  	v34 =	vld.idx.msk [tilespmem:v11+s13+$0x0], $0xffff;
	[tilespmem:s2+$0xFFFFFE40] =	vst v21  }
0xac: {  	v35 =	vld.idx.msk [tilespmem:v12+s13+$0x0], $0xffff;
	[tilespmem:s2+$0xFFFFFE50] =	vst v22  }
0xad: {  	[tilespmem:s2+$0xFFFFFE60] =	vst v31;
	v9 =	vld.idx.msk [tilespmem:v1+s15+$0x0], $0xffff  }
0xae: {  	v36 =	vld.idx.msk [tilespmem:v13+s13+$0x0], $0xffff;
	[tilespmem:s2+$0xFFFFFE00] =	vst v23  }
0xaf: {  	v37 =	vld.idx.msk [tilespmem:v14+s13+$0x0], $0xffff;
	[tilespmem:s2+$0xFFFFFE70] =	vst v32  }
0xb0: {  	v38 =	vld.idx.msk [tilespmem:v15+s13+$0x0], $0xffff;
	[tilespmem:s2+$0x0] =	vst v33  }
0xb1: {  	v39 =	vld.idx.msk [tilespmem:v16+s13+$0x0], $0xffff;
	[tilespmem:s2+$0x10] =	vst v34  }
0xb2: {  	v40 =	vld.idx.msk [tilespmem:v17+s15+$0x0], $0xffff;
	[tilespmem:s2+$0xF0] =	vst v9  }
0xb3: {  	[tilespmem:s2+$0x20] =	vst v35;
	v9 =	vld.idx.msk [tilespmem:v1+s16+$0x0], $0xffff  }
0xb4: {  	[tilespmem:s2+$0x30] =	vst v36;
	v41 =	vld.idx.msk [tilespmem:v3+s15+$0x0], $0xffff  }
0xb5: {  	[tilespmem:s2+$0x40] =	vst v37;
	v42 =	vld.idx.msk [tilespmem:v4+s15+$0x0], $0xffff  }
0xb6: {  	[tilespmem:s2+$0x50] =	vst v38;
	v43 =	vld.idx.msk [tilespmem:v5+s15+$0x0], $0xffff  }
0xb7: {  	[tilespmem:s2+$0x60] =	vst v39;
	v44 =	vld.idx.msk [tilespmem:v6+s15+$0x0], $0xffff  }
0xb8: {  	v45 =	vld.idx.msk [tilespmem:v7+s15+$0x0], $0xffff;
	[tilespmem:s2+$0x170] =	vst v9  }
0xb9: {  	[tilespmem:s2+$0xFFFFFE80] =	vst v40;
	v1 =	vld.idx.msk [tilespmem:v1+s17+$0x0], $0xffff  }
0xba: {  	v46 =	vld.idx.msk [tilespmem:v10+s15+$0x0], $0xffff;
	[tilespmem:s2+$0xFFFFFEA0] =	vst v41  }
0xbb: {  	v47 =	vld.idx.msk [tilespmem:v11+s15+$0x0], $0xffff;
	[tilespmem:s2+$0xFFFFFEB0] =	vst v42  }
0xbc: {  	v48 =	vld.idx.msk [tilespmem:v12+s15+$0x0], $0xffff;
	[tilespmem:s2+$0xFFFFFEC0] =	vst v43  }
0xbd: {  	v49 =	vld.idx.msk [tilespmem:v13+s15+$0x0], $0xffff;
	[tilespmem:s2+$0xFFFFFED0] =	vst v44  }
0xbe: {  	[tilespmem:s2+$0x1F0] =	vst v1;
	v1 =	vld.idx.msk [tilespmem:v2+s15+$0x0], $0xffff  }
0xbf: {  	v50 =	vld.idx.msk [tilespmem:v14+s15+$0x0], $0xffff;
	[tilespmem:s2+$0xFFFFFEE0] =	vst v45  }
0xc0: {  	v51 =	vld.idx.msk [tilespmem:v16+s15+$0x0], $0xffff;
	[tilespmem:s2+$0x80] =	vst v46  }
0xc1: {  	[tilespmem:s2+$0x90] =	vst v47;
	v22 =	vld.idx.msk [tilespmem:v17+s16+$0x0], $0xffff  }
0xc2: {  	[tilespmem:s2+$0xA0] =	vst v48;
	v53 =	vld.idx.msk [tilespmem:v3+s16+$0x0], $0xffff  }
0xc3: {  	[tilespmem:s2+$0xFFFFFE90] =	vst v1;
	v1 =	vld.idx.msk [tilespmem:v8+s15+$0x0], $0xffff  }
0xc4: {  	[tilespmem:s2+$0xB0] =	vst v49;
	v54 =	vld.idx.msk [tilespmem:v4+s16+$0x0], $0xffff  }
0xc5: {  	[tilespmem:s2+$0xC0] =	vst v50;
	v55 =	vld.idx.msk [tilespmem:v5+s16+$0x0], $0xffff  }
0xc6: {  	[tilespmem:s2+$0xE0] =	vst v51;
	v56 =	vld.idx.msk [tilespmem:v7+s16+$0x0], $0xffff  }
0xc7: {  	v58 =	vld.idx.msk [tilespmem:v10+s16+$0x0], $0xffff;
	[tilespmem:s2+$0xFFFFFF00] =	vst v22  }
0xc8: {  	[tilespmem:s2+$0xFFFFFEF0] =	vst v1;
	v1 =	vld.idx.msk [tilespmem:v15+s15+$0x0], $0xffff  }
0xc9: {  	v59 =	vld.idx.msk [tilespmem:v11+s16+$0x0], $0xffff;
	[tilespmem:s2+$0xFFFFFF20] =	vst v53  }
0xca: {  	[tilespmem:s2+$0xFFFFFF30] =	vst v54;
	v52 =	vld.idx.msk [tilespmem:v2+s16+$0x0], $0xffff  }
0xcb: {  	v60 =	vld.idx.msk [tilespmem:v12+s16+$0x0], $0xffff;
	[tilespmem:s2+$0xFFFFFF40] =	vst v55  }
0xcc: {  	v61 =	vld.idx.msk [tilespmem:v14+s16+$0x0], $0xffff;
	[tilespmem:s2+$0xFFFFFF60] =	vst v56  }
0xcd: {  	[tilespmem:s2+$0xD0] =	vst v1;
	v1 =	vld.idx.msk [tilespmem:v6+s16+$0x0], $0xffff  }
0xce: {  	v63 =	vld.idx.msk [tilespmem:v16+s16+$0x0], $0xffff;
	[tilespmem:s2+$0x100] =	vst v58  }
0xcf: {  	[tilespmem:s2+$0xFFFFFF10] =	vst v52;
	v57 =	vld.idx.msk [tilespmem:v8+s16+$0x0], $0xffff  }
0xd0: {  	[tilespmem:s2+$0x110] =	vst v59;
	v2 =	vld.idx.msk [tilespmem:v2+s17+$0x0], $0xffff  }
0xd1: {  	[tilespmem:s2+$0x120] =	vst v60;
	v17 =	vld.idx.msk [tilespmem:v17+s17+$0x0], $0xffff  }
0xd2: {  	[tilespmem:s2+$0xFFFFFF50] =	vst v1;
	v1 =	vld.idx.msk [tilespmem:v13+s16+$0x0], $0xffff  }
0xd3: {  	[tilespmem:s2+$0x140] =	vst v61;
	v3 =	vld.idx.msk [tilespmem:v3+s17+$0x0], $0xffff  }
0xd4: {  	[tilespmem:s2+$0xFFFFFF70] =	vst v57;
	v62 =	vld.idx.msk [tilespmem:v15+s16+$0x0], $0xffff  }
0xd5: {  	[tilespmem:s2+$0xFFFFFF90] =	vst v2;
	v2 =	vld.idx.msk [tilespmem:v8+s17+$0x0], $0xffff  }
0xd6: {  	[tilespmem:s2+$0x160] =	vst v63;
	v7 =	vld.idx.msk [tilespmem:v7+s17+$0x0], $0xffff  }
0xd7: {  	[tilespmem:s2+$0x130] =	vst v1;
	v1 =	vld.idx.msk [tilespmem:v4+s17+$0x0], $0xffff  }
0xd8: {  	[tilespmem:s2+$0xFFFFFF80] =	vst v17;
	v4 =	vld.idx.msk [tilespmem:v5+s17+$0x0], $0xffff  }
0xd9: {  	v8 =	vld.idx.msk [tilespmem:v10+s17+$0x0], $0xffff;
	[tilespmem:s2+$0x150] =	vst v62  }
0xda: {  	[tilespmem:s2+$0xFFFFFFF0] =	vst v2;
	v2 =	vld.idx.msk [tilespmem:v15+s17+$0x0], $0xffff  }
0xdb: {  	[tilespmem:s2+$0xFFFFFFA0] =	vst v3;
	v5 =	vld.idx.msk [tilespmem:v6+s17+$0x0], $0xffff  }
0xdc: {  	[tilespmem:s2+$0xFFFFFFE0] =	vst v7;
	v6 =	vld.idx.msk [tilespmem:v11+s17+$0x0], $0xffff  }
0xdd: {  	[tilespmem:s2+$0xFFFFFFC0] =	vst v4;
	v4 =	vld.idx.msk [tilespmem:v12+s17+$0x0], $0xffff  }
0xde: {  	[tilespmem:s2+$0x180] =	vst v8;
	v3 =	vld.idx.msk [tilespmem:v13+s17+$0x0], $0xffff  }
0xdf: {  	[tilespmem:s2+$0xFFFFFFB0] =	vst v1;
	v1 =	vld.idx.msk [tilespmem:v14+s17+$0x0], $0xffff  }
0xe0: {  	s9 =	simm.s32 $0x180;
	s3 =	simm.s32 $0x0;
	[tilespmem:s2+$0xFFFFFFD0] =	vst v5;
	v5 =	vld.idx.msk [tilespmem:v16+s17+$0x0], $0xffff  }
.LBB2_3:
0xe1: {  	v16 =	vld [tilespmem:s9+$0x70];
	s3 =	sadd.s32 $0x10, s3;
	[tilespmem:s2+$0x190] =	vst v6  }
0xe2: {  	v8 =	vld [tilespmem:s9+$0xFFFFFF90];
	p0 =	slt.u32 s3, $0xF0;
	[tilespmem:s2+$0x1A0] =	vst v4  }
0xe3: {  	v11 =	vld [tilespmem:s9+$0xFFFFFFA0];
	[tilespmem:s2+$0x1B0] =	vst v3  }
0xe4: {  	v12 =	vld [tilespmem:s9+$0xFFFFFFB0];
	[tilespmem:s2+$0x1C0] =	vst v1  }
0xe5: {  	v13 =	vld [tilespmem:s9+$0xFFFFFFC0];
	[tilespmem:s2+$0x1D0] =	vst v2  }
0xe6: {  	v14 =	vld [tilespmem:s9+$0xFFFFFFD0];
	[tilespmem:s2+$0x1E0] =	vst v5  }
0xe7: {  	v9 =	vld [tilespmem:s9+$0xFFFFFFE0]  }
0xe8: {  	v6 =	vld [tilespmem:s9+$0xFFFFFFF0]  }
0xe9: {  	v5 =	vld.idx.msk [tilespmem:v16+s13+$0x0], $0xffff  }
0xea: {  	v10 =	vld [tilespmem:s9+$0x0]  }
0xeb: {  	v7 =	vld [tilespmem:s9+$0x10]  }
0xec: {  	v4 =	vld [tilespmem:s9+$0x20]  }
0xed: {  	v3 =	vld [tilespmem:s9+$0x30]  }
0xee: {  	s2 =	sadd.s32 $0x400, s2;
	v1 =	vld [tilespmem:s9+$0x40]  }
0xef: {  	v2 =	vld [tilespmem:s9+$0x50];
	[tilespmem:s2+$0x70] =	vst v5  }
0xf0: {  	v17 =	vld.idx.msk [tilespmem:v16+s15+$0x0], $0xffff  }
0xf1: {  	v5 =	vld [tilespmem:s9+$0x60]  }
0xf2: {  	v15 =	vld [tilespmem:s9+$0xFFFFFF80]  }
0xf3: {  	v18 =	vld.idx.msk [tilespmem:v8+s13+$0x0], $0xffff  }
0xf4: {  	v19 =	vld.idx.msk [tilespmem:v11+s13+$0x0], $0xffff  }
0xf5: {  	v20 =	vld.idx.msk [tilespmem:v12+s13+$0x0], $0xffff  }
0xf6: {  	v21 =	vld.idx.msk [tilespmem:v13+s13+$0x0], $0xffff;
	[tilespmem:s2+$0xF0] =	vst v17  }
0xf7: {  	v17 =	vld.idx.msk [tilespmem:v16+s16+$0x0], $0xffff  }
0xf8: {  	v22 =	vld.idx.msk [tilespmem:v14+s13+$0x0], $0xffff  }
0xf9: {  	[tilespmem:s2+$0xFFFFFE10] =	vst v18;
	v18 =	vld.idx.msk [tilespmem:v9+s13+$0x0], $0xffff  }
0xfa: {  	v23 =	vld.idx.msk [tilespmem:v15+s13+$0x0], $0xffff;
	[tilespmem:s2+$0xFFFFFE20] =	vst v19  }
0xfb: {  	[tilespmem:s2+$0xFFFFFE30] =	vst v20;
	v19 =	vld.idx.msk [tilespmem:v6+s13+$0x0], $0xffff  }
0xfc: {  	[tilespmem:s2+$0xFFFFFE40] =	vst v21;
	v20 =	vld.idx.msk [tilespmem:v10+s13+$0x0], $0xffff  }
0xfd: {  	v21 =	vld.idx.msk [tilespmem:v7+s13+$0x0], $0xffff;
	[tilespmem:s2+$0x170] =	vst v17  }
0xfe: {  	[tilespmem:s2+$0xFFFFFE50] =	vst v22;
	v16 =	vld.idx.msk [tilespmem:v16+s17+$0x0], $0xffff  }
0xff: {  	[tilespmem:s2+$0xFFFFFE60] =	vst v18;
	v17 =	vld.idx.msk [tilespmem:v4+s13+$0x0], $0xffff  }
0x100: {  	[tilespmem:s2+$0xFFFFFE00] =	vst v23;
	v18 =	vld.idx.msk [tilespmem:v3+s13+$0x0], $0xffff  }
0x101: {  	[tilespmem:s2+$0xFFFFFE70] =	vst v19;
	v19 =	vld.idx.msk [tilespmem:v1+s13+$0x0], $0xffff  }
0x102: {  	[tilespmem:s2+$0x0] =	vst v20;
	v20 =	vld.idx.msk [tilespmem:v2+s13+$0x0], $0xffff  }
0x103: {  	[tilespmem:s2+$0x10] =	vst v21;
	v21 =	vld.idx.msk [tilespmem:v5+s13+$0x0], $0xffff  }
0x104: {  	v22 =	vld.idx.msk [tilespmem:v15+s15+$0x0], $0xffff;
	[tilespmem:s2+$0x1F0] =	vst v16  }
0x105: {  	v16 =	vld.idx.msk [tilespmem:v8+s15+$0x0], $0xffff;
	[tilespmem:s2+$0x20] =	vst v17  }
0x106: {  	v17 =	vld.idx.msk [tilespmem:v11+s15+$0x0], $0xffff;
	[tilespmem:s2+$0x30] =	vst v18  }
0x107: {  	v18 =	vld.idx.msk [tilespmem:v12+s15+$0x0], $0xffff;
	[tilespmem:s2+$0x40] =	vst v19  }
0x108: {  	v19 =	vld.idx.msk [tilespmem:v13+s15+$0x0], $0xffff;
	[tilespmem:s2+$0x50] =	vst v20  }
0x109: {  	v20 =	vld.idx.msk [tilespmem:v14+s15+$0x0], $0xffff;
	[tilespmem:s2+$0x60] =	vst v21  }
0x10a: {  	[tilespmem:s2+$0xFFFFFE80] =	vst v22;
	v21 =	vld.idx.msk [tilespmem:v9+s15+$0x0], $0xffff  }
0x10b: {  	[tilespmem:s2+$0xFFFFFE90] =	vst v16;
	v16 =	vld.idx.msk [tilespmem:v6+s15+$0x0], $0xffff  }
0x10c: {  	[tilespmem:s2+$0xFFFFFEA0] =	vst v17;
	v17 =	vld.idx.msk [tilespmem:v10+s15+$0x0], $0xffff  }
0x10d: {  	[tilespmem:s2+$0xFFFFFEB0] =	vst v18;
	v18 =	vld.idx.msk [tilespmem:v7+s15+$0x0], $0xffff  }
0x10e: {  	[tilespmem:s2+$0xFFFFFEC0] =	vst v19;
	v19 =	vld.idx.msk [tilespmem:v4+s15+$0x0], $0xffff  }
0x10f: {  	[tilespmem:s2+$0xFFFFFED0] =	vst v20;
	v20 =	vld.idx.msk [tilespmem:v3+s15+$0x0], $0xffff  }
0x110: {  	[tilespmem:s2+$0xFFFFFEE0] =	vst v21;
	v21 =	vld.idx.msk [tilespmem:v1+s15+$0x0], $0xffff  }
0x111: {  	[tilespmem:s2+$0xFFFFFEF0] =	vst v16;
	v16 =	vld.idx.msk [tilespmem:v2+s15+$0x0], $0xffff  }
0x112: {  	[tilespmem:s2+$0x80] =	vst v17;
	v17 =	vld.idx.msk [tilespmem:v5+s15+$0x0], $0xffff  }
0x113: {  	v22 =	vld.idx.msk [tilespmem:v15+s16+$0x0], $0xffff;
	[tilespmem:s2+$0x90] =	vst v18  }
0x114: {  	v18 =	vld.idx.msk [tilespmem:v8+s16+$0x0], $0xffff;
	[tilespmem:s2+$0xA0] =	vst v19  }
0x115: {  	v19 =	vld.idx.msk [tilespmem:v11+s16+$0x0], $0xffff;
	[tilespmem:s2+$0xB0] =	vst v20  }
0x116: {  	v20 =	vld.idx.msk [tilespmem:v12+s16+$0x0], $0xffff;
	[tilespmem:s2+$0xC0] =	vst v21  }
0x117: {  	v21 =	vld.idx.msk [tilespmem:v13+s16+$0x0], $0xffff;
	[tilespmem:s2+$0xD0] =	vst v16  }
0x118: {  	v16 =	vld.idx.msk [tilespmem:v14+s16+$0x0], $0xffff;
	[tilespmem:s2+$0xE0] =	vst v17  }
0x119: {  	[tilespmem:s2+$0xFFFFFF00] =	vst v22;
	v17 =	vld.idx.msk [tilespmem:v9+s16+$0x0], $0xffff  }
0x11a: {  	[tilespmem:s2+$0xFFFFFF10] =	vst v18;
	v18 =	vld.idx.msk [tilespmem:v6+s16+$0x0], $0xffff  }
0x11b: {  	[tilespmem:s2+$0xFFFFFF20] =	vst v19;
	v19 =	vld.idx.msk [tilespmem:v10+s16+$0x0], $0xffff  }
0x11c: {  	[tilespmem:s2+$0xFFFFFF30] =	vst v20;
	v20 =	vld.idx.msk [tilespmem:v7+s16+$0x0], $0xffff  }
0x11d: {  	[tilespmem:s2+$0xFFFFFF40] =	vst v21;
	v21 =	vld.idx.msk [tilespmem:v4+s16+$0x0], $0xffff  }
0x11e: {  	[tilespmem:s2+$0xFFFFFF50] =	vst v16;
	v16 =	vld.idx.msk [tilespmem:v3+s16+$0x0], $0xffff  }
0x11f: {  	[tilespmem:s2+$0xFFFFFF60] =	vst v17;
	v17 =	vld.idx.msk [tilespmem:v1+s16+$0x0], $0xffff  }
0x120: {  	[tilespmem:s2+$0xFFFFFF70] =	vst v18;
	v18 =	vld.idx.msk [tilespmem:v2+s16+$0x0], $0xffff  }
0x121: {  	[tilespmem:s2+$0x100] =	vst v19;
	v19 =	vld.idx.msk [tilespmem:v5+s16+$0x0], $0xffff  }
0x122: {  	v15 =	vld.idx.msk [tilespmem:v15+s17+$0x0], $0xffff;
	[tilespmem:s2+$0x110] =	vst v20  }
0x123: {  	v8 =	vld.idx.msk [tilespmem:v8+s17+$0x0], $0xffff;
	[tilespmem:s2+$0x120] =	vst v21  }
0x124: {  	v11 =	vld.idx.msk [tilespmem:v11+s17+$0x0], $0xffff;
	[tilespmem:s2+$0x130] =	vst v16  }
0x125: {  	v12 =	vld.idx.msk [tilespmem:v12+s17+$0x0], $0xffff;
	[tilespmem:s2+$0x140] =	vst v17  }
0x126: {  	v13 =	vld.idx.msk [tilespmem:v13+s17+$0x0], $0xffff;
	[tilespmem:s2+$0x150] =	vst v18  }
0x127: {  	v14 =	vld.idx.msk [tilespmem:v14+s17+$0x0], $0xffff;
	[tilespmem:s2+$0x160] =	vst v19  }
0x128: {  	[tilespmem:s2+$0xFFFFFF80] =	vst v15;
	v9 =	vld.idx.msk [tilespmem:v9+s17+$0x0], $0xffff  }
0x129: {  	[tilespmem:s2+$0xFFFFFF90] =	vst v8;
	v8 =	vld.idx.msk [tilespmem:v6+s17+$0x0], $0xffff  }
0x12a: {  	[tilespmem:s2+$0xFFFFFFA0] =	vst v11;
	v10 =	vld.idx.msk [tilespmem:v10+s17+$0x0], $0xffff  }
0x12b: {  	[tilespmem:s2+$0xFFFFFFB0] =	vst v12;
	v6 =	vld.idx.msk [tilespmem:v7+s17+$0x0], $0xffff  }
.Ltmp0:
0x12c: {  	[tilespmem:s2+$0xFFFFFFC0] =	vst v13;
	v4 =	vld.idx.msk [tilespmem:v4+s17+$0x0], $0xffff;
	(pc) =	sbr.rel @p0 .LBB2_3-.Ltmp0, $4  }
0x12d: {  	[tilespmem:s2+$0xFFFFFFD0] =	vst v14;
	v3 =	vld.idx.msk [tilespmem:v3+s17+$0x0], $0xffff  }
0x12e: {  	[tilespmem:s2+$0xFFFFFFE0] =	vst v9;
	v1 =	vld.idx.msk [tilespmem:v1+s17+$0x0], $0xffff  }
0x12f: {  	[tilespmem:s2+$0xFFFFFFF0] =	vst v8;
	v2 =	vld.idx.msk [tilespmem:v2+s17+$0x0], $0xffff  }
0x130: {  	s9 =	sadd.s32 $0x100, s9;
	[tilespmem:s2+$0x180] =	vst v10;
	v5 =	vld.idx.msk [tilespmem:v5+s17+$0x0], $0xffff  }
0x131: {  	[tilespmem:s2+$0x190] =	vst v6  }
0x132: {  	[tilespmem:s2+$0x1A0] =	vst v4  }
0x133: {  	[tilespmem:s2+$0x1B0] =	vst v3  }
0x134: {  	s3 =	sadd.s32 s7, s31;
	[tilespmem:s2+$0x1C0] =	vst v1  }
0x135: {  	s3 =	sshll.u32 s3, $0xC;
	[tilespmem:s2+$0x1D0] =	vst v2  }
0x136: {  	s10 =	sadd.s32 s5, s3;
	[tilespmem:s2+$0x1E0] =	vst v5  }
0x137: {  	[hbm4b:s10+s23] =	stream.strided.scatter [tilespmem:s24], [sflag:$0x3], $0x4000, s12, s23, $0x38;
	[tilespmem:$0x19000] =	vst v63  }
0x138: {  	_ =	swait.ge [sflag:s25], $0x2000  }
0x139: {  	[sflag:s25] =	ssyncset.done $0x0  }
0x13a: {  	[sflag:s25] =	ssyncadd.s32 $0xFFFFE000  }
0x13b: {  	_ =	swait.ge [sflag:s25], $0x2000  }
0x13c: {  	[sflag:s25] =	ssyncset.done $0x0  }
0x13d: {  	[sflag:s25] =	ssyncadd.s32 $0xFFFFE000  }
0x13e: {  	_ =	swait.ge [sflag:s25], $0x2000  }
0x13f: {  	[sflag:s25] =	ssyncset.done $0x0  }
0x140: {  	p0 =	seq.s32 s31, $0xF;
	[sflag:s25] =	ssyncadd.s32 $0xFFFFE000  }
0x141: {  	s2 =	sadd.s32 @!p0 $0x8, s4;
	_ =	swait.ge [sflag:s25], $0x2000  }
0x142: {  	s3 =	sadd.s32 @!p0 s6, s2;
	[sflag:s25] =	ssyncset.done $0x0  }
0x143: {  	s3 =	sand.u32 @!p0 $0x1FF0, s3;
	[sflag:s25] =	ssyncadd.s32 $0xFFFFE000  }
0x144: {  	v1 =	vld @!p0 [tilespmem:s3+$0x0];
	_ =	sdelay $0x1  }
0x145: {  	s2 =	sand.u32 @!p0 $0x8, s2  }
0x146: {  	v3 =	vlaneseq.u32 @!p0;
	v2 =	vmov @!p0 s2  }
0x147: {  	vm4 =	veq.s32 @!p0 v2, v3  }
0x148: {  	v1 =	vnsel @!p0 vm4, $0x0, v1  }
0x149: {  	(xrf0) =	vadd.scan.msk.s32 @!p0 $0xffff, v1;
	_ =	sdelay $0x5  }
0x14a: {  	v1, _, _ =	vpop @!p0 (xrf0)  }
0x14b: {  	(v2sf) =	vpush @!p0 v1, $0xF;
	_ =	sdelay $0xe  }
0x14c: {  	s4 =	spop @!p0 (v2sf)  }
0x14d: {  	s9 =	sshll.u32 @!p0 s4, $0xD;
	s4 =	sshll.u32 @!p0 s4, $0x7  }
0x14e: {  	s9 =	sand.u32 @!p0 $0xFFFF0000, s9;
	s4 =	sand.u32 @!p0 $0x380, s4  }
0x14f: {  	s4 =	sor.u32 @!p0 s4, s9  }
0x150: {  	s28 =	simm.s32 @!p0 $0x1000;
	s4 =	sshrl.u32 @!p0 s4, $0x3  }
0x151: {  	s10 =	simm.s32 @!p0 $0x400;
	s9 =	simm.s32 @!p0 $0x80;
	s4 =	sadd.s32 @!p0 s1, s4  }
0x152: {  	[tilespmem:s28], [sflag:$0x1] =	stream.strided.gather @!p0 [hbm4b:s4+s9], $0x2000, s10, s9, $0x38;
	[tilespmem:$0x19000] =	vst v63  }
0x153: {  	v1 =	vld @!p0 [tilespmem:s3+$0x0];
	_ =	sdelay $0x1  }
0x154: {  	s4 =	sor.u32 @!p0 $0x1, s2  }
0x155: {  	v2 =	vmov @!p0 s4  }
0x156: {  	vm4 =	veq.s32 @!p0 v2, v3  }
0x157: {  	v1 =	vnsel @!p0 vm4, $0x0, v1  }
0x158: {  	(xrf0) =	vadd.scan.msk.s32 @!p0 $0xffff, v1;
	_ =	sdelay $0x5  }
0x159: {  	v1, _, _ =	vpop @!p0 (xrf0)  }
0x15a: {  	(v2sf) =	vpush @!p0 v1, $0xF;
	_ =	sdelay $0xe  }
0x15b: {  	s4 =	spop @!p0 (v2sf)  }
0x15c: {  	s28 =	sshll.u32 @!p0 s4, $0xD;
	s4 =	sshll.u32 @!p0 s4, $0x7  }
0x15d: {  	s28 =	sand.u32 @!p0 $0xFFFF0000, s28;
	s4 =	sand.u32 @!p0 $0x380, s4  }
0x15e: {  	s4 =	sor.u32 @!p0 s4, s28  }
0x15f: {  	s4 =	sshrl.u32 @!p0 s4, $0x3  }
0x160: {  	s28 =	simm.s32 @!p0 $0x3000;
	s4 =	sadd.s32 @!p0 s1, s4  }
0x161: {  	[tilespmem:s28], [sflag:$0x1] =	stream.strided.gather @!p0 [hbm4b:s4+s9], $0x2000, s10, s9, $0x38;
	[tilespmem:$0x19000] =	vst v63  }
0x162: {  	v1 =	vld @!p0 [tilespmem:s3+$0x0];
	_ =	sdelay $0x1  }
0x163: {  	s4 =	sor.u32 @!p0 $0x2, s2  }
0x164: {  	v2 =	vmov @!p0 s4  }
0x165: {  	vm4 =	veq.s32 @!p0 v2, v3  }
0x166: {  	v1 =	vnsel @!p0 vm4, $0x0, v1  }
0x167: {  	(xrf0) =	vadd.scan.msk.s32 @!p0 $0xffff, v1;
	_ =	sdelay $0x5  }
0x168: {  	v1, _, _ =	vpop @!p0 (xrf0)  }
0x169: {  	(v2sf) =	vpush @!p0 v1, $0xF;
	_ =	sdelay $0xe  }
0x16a: {  	s4 =	spop @!p0 (v2sf)  }
0x16b: {  	s28 =	sshll.u32 @!p0 s4, $0xD;
	s4 =	sshll.u32 @!p0 s4, $0x7  }
0x16c: {  	s28 =	sand.u32 @!p0 $0xFFFF0000, s28;
	s4 =	sand.u32 @!p0 $0x380, s4  }
0x16d: {  	s4 =	sor.u32 @!p0 s4, s28  }
0x16e: {  	s4 =	sshrl.u32 @!p0 s4, $0x3  }
0x16f: {  	s28 =	simm.s32 @!p0 $0x5000;
	s4 =	sadd.s32 @!p0 s1, s4  }
0x170: {  	[tilespmem:s28], [sflag:$0x1] =	stream.strided.gather @!p0 [hbm4b:s4+s9], $0x2000, s10, s9, $0x38;
	[tilespmem:$0x19000] =	vst v63  }
0x171: {  	v1 =	vld @!p0 [tilespmem:s3+$0x0];
	_ =	sdelay $0x1  }
0x172: {  	s2 =	sor.u32 @!p0 $0x3, s2  }
0x173: {  	v2 =	vmov @!p0 s2  }
0x174: {  	vm4 =	veq.s32 @!p0 v2, v3  }
0x175: {  	v1 =	vnsel @!p0 vm4, $0x0, v1  }
0x176: {  	(xrf0) =	vadd.scan.msk.s32 @!p0 $0xffff, v1;
	_ =	sdelay $0x5  }
0x177: {  	v1, _, _ =	vpop @!p0 (xrf0)  }
0x178: {  	(v2sf) =	vpush @!p0 v1, $0xF;
	_ =	sdelay $0xe  }
0x179: {  	s2 =	spop @!p0 (v2sf)  }
0x17a: {  	s3 =	sshll.u32 @!p0 s2, $0xD;
	s2 =	sshll.u32 @!p0 s2, $0x7  }
0x17b: {  	s3 =	sand.u32 @!p0 $0xFFFF0000, s3;
	s2 =	sand.u32 @!p0 $0x380, s2  }
0x17c: {  	s2 =	sor.u32 @!p0 s2, s3  }
0x17d: {  	s2 =	sshrl.u32 @!p0 s2, $0x3  }
0x17e: {  	p1 =	seq.s32 @!p0 s31, $0x0;
	s3 =	simm.s32 @!p0 $0x7000;
	s2 =	sadd.s32 @!p0 s1, s2  }
0x17f: {  	[tilespmem:s3], [sflag:$0x1] =	stream.strided.gather @!p0 [hbm4b:s2+s9], $0x2000, s10, s9, $0x38;
	[tilespmem:$0x19000] =	vst v63  }
0x180: {  	p0 =	por p0, !p1  }
0x181: {  	_ =	swait.ge @p0 [sflag:s29], $0x4000  }
0x182: {  	[sflag:s29] =	ssyncset.done @p0 $0x0  }
0x183: {  	s28 =	simm.s32 $0x80;
	[sflag:s29] =	ssyncadd.s32 @p0 $0xFFFFC000  }
0x184: {  	v1 =	vld [tilespmem:s28+$0x70]  }
0x185: {  	v2 =	vld [tilespmem:s28+$0xFFFFFF90]  }
0x186: {  	v3 =	vld [tilespmem:s28+$0xFFFFFFA0]  }
0x187: {  	v4 =	vld [tilespmem:s28+$0xFFFFFFB0]  }
0x188: {  	v5 =	vld [tilespmem:s28+$0xFFFFFFC0]  }
0x189: {  	v6 =	vld [tilespmem:s28+$0xFFFFFFD0]  }
0x18a: {  	v7 =	vld [tilespmem:s28+$0xFFFFFFE0]  }
0x18b: {  	v8 =	vld [tilespmem:s28+$0xFFFFFFF0]  }
0x18c: {  	v10 =	vld [tilespmem:s28+$0x0]  }
0x18d: {  	v11 =	vld [tilespmem:s28+$0x10]  }
0x18e: {  	v12 =	vld [tilespmem:s28+$0x20]  }
0x18f: {  	v13 =	vld [tilespmem:s28+$0x30]  }
0x190: {  	v14 =	vld [tilespmem:s28+$0x40]  }
0x191: {  	v15 =	vld [tilespmem:s28+$0x50]  }
0x192: {  	v16 =	vld [tilespmem:s28+$0x60]  }
0x193: {  	v17 =	vld [tilespmem:s28+$0xFFFFFF80]  }
0x194: {  	v9 =	vld.idx.msk [tilespmem:v1+s19+$0x0], $0xffff  }
0x195: {  	v18 =	vld.idx.msk [tilespmem:v2+s19+$0x0], $0xffff  }
0x196: {  	v19 =	vld.idx.msk [tilespmem:v3+s19+$0x0], $0xffff  }
0x197: {  	v20 =	vld.idx.msk [tilespmem:v4+s19+$0x0], $0xffff  }
0x198: {  	v21 =	vld.idx.msk [tilespmem:v5+s19+$0x0], $0xffff  }
0x199: {  	s2 =	simm.s32 $0x15200;
	v22 =	vld.idx.msk [tilespmem:v6+s19+$0x0], $0xffff  }
0x19a: {  	v31 =	vld.idx.msk [tilespmem:v7+s19+$0x0], $0xffff;
	[tilespmem:s2+$0x70] =	vst v9  }
0x19b: {  	v23 =	vld.idx.msk [tilespmem:v17+s19+$0x0], $0xffff;
	[tilespmem:s2+$0xFFFFFE10] =	vst v18  }
0x19c: {  	v32 =	vld.idx.msk [tilespmem:v8+s19+$0x0], $0xffff;
	[tilespmem:s2+$0xFFFFFE20] =	vst v19  }
0x19d: {  	v33 =	vld.idx.msk [tilespmem:v10+s19+$0x0], $0xffff;
	[tilespmem:s2+$0xFFFFFE30] =	vst v20  }
0x19e: {  	v34 =	vld.idx.msk [tilespmem:v11+s19+$0x0], $0xffff;
	[tilespmem:s2+$0xFFFFFE40] =	vst v21  }
0x19f: {  	v35 =	vld.idx.msk [tilespmem:v12+s19+$0x0], $0xffff;
	[tilespmem:s2+$0xFFFFFE50] =	vst v22  }
0x1a0: {  	[tilespmem:s2+$0xFFFFFE60] =	vst v31;
	v9 =	vld.idx.msk [tilespmem:v1+s20+$0x0], $0xffff  }
0x1a1: {  	v36 =	vld.idx.msk [tilespmem:v13+s19+$0x0], $0xffff;
	[tilespmem:s2+$0xFFFFFE00] =	vst v23  }
0x1a2: {  	v37 =	vld.idx.msk [tilespmem:v14+s19+$0x0], $0xffff;
	[tilespmem:s2+$0xFFFFFE70] =	vst v32  }
0x1a3: {  	v38 =	vld.idx.msk [tilespmem:v15+s19+$0x0], $0xffff;
	[tilespmem:s2+$0x0] =	vst v33  }
0x1a4: {  	v39 =	vld.idx.msk [tilespmem:v16+s19+$0x0], $0xffff;
	[tilespmem:s2+$0x10] =	vst v34  }
0x1a5: {  	v40 =	vld.idx.msk [tilespmem:v17+s20+$0x0], $0xffff;
	[tilespmem:s2+$0xF0] =	vst v9  }
0x1a6: {  	[tilespmem:s2+$0x20] =	vst v35;
	v9 =	vld.idx.msk [tilespmem:v1+s21+$0x0], $0xffff  }
0x1a7: {  	[tilespmem:s2+$0x30] =	vst v36;
	v41 =	vld.idx.msk [tilespmem:v3+s20+$0x0], $0xffff  }
0x1a8: {  	[tilespmem:s2+$0x40] =	vst v37;
	v42 =	vld.idx.msk [tilespmem:v4+s20+$0x0], $0xffff  }
0x1a9: {  	[tilespmem:s2+$0x50] =	vst v38;
	v43 =	vld.idx.msk [tilespmem:v5+s20+$0x0], $0xffff  }
0x1aa: {  	[tilespmem:s2+$0x60] =	vst v39;
	v44 =	vld.idx.msk [tilespmem:v6+s20+$0x0], $0xffff  }
0x1ab: {  	v45 =	vld.idx.msk [tilespmem:v7+s20+$0x0], $0xffff;
	[tilespmem:s2+$0x170] =	vst v9  }
0x1ac: {  	[tilespmem:s2+$0xFFFFFE80] =	vst v40;
	v1 =	vld.idx.msk [tilespmem:v1+s22+$0x0], $0xffff  }
0x1ad: {  	v46 =	vld.idx.msk [tilespmem:v10+s20+$0x0], $0xffff;
	[tilespmem:s2+$0xFFFFFEA0] =	vst v41  }
0x1ae: {  	v47 =	vld.idx.msk [tilespmem:v11+s20+$0x0], $0xffff;
	[tilespmem:s2+$0xFFFFFEB0] =	vst v42  }
0x1af: {  	v48 =	vld.idx.msk [tilespmem:v12+s20+$0x0], $0xffff;
	[tilespmem:s2+$0xFFFFFEC0] =	vst v43  }
0x1b0: {  	v49 =	vld.idx.msk [tilespmem:v13+s20+$0x0], $0xffff;
	[tilespmem:s2+$0xFFFFFED0] =	vst v44  }
0x1b1: {  	[tilespmem:s2+$0x1F0] =	vst v1;
	v1 =	vld.idx.msk [tilespmem:v2+s20+$0x0], $0xffff  }
0x1b2: {  	v50 =	vld.idx.msk [tilespmem:v14+s20+$0x0], $0xffff;
	[tilespmem:s2+$0xFFFFFEE0] =	vst v45  }
0x1b3: {  	v51 =	vld.idx.msk [tilespmem:v16+s20+$0x0], $0xffff;
	[tilespmem:s2+$0x80] =	vst v46  }
0x1b4: {  	[tilespmem:s2+$0x90] =	vst v47;
	v22 =	vld.idx.msk [tilespmem:v17+s21+$0x0], $0xffff  }
0x1b5: {  	[tilespmem:s2+$0xA0] =	vst v48;
	v53 =	vld.idx.msk [tilespmem:v3+s21+$0x0], $0xffff  }
0x1b6: {  	[tilespmem:s2+$0xFFFFFE90] =	vst v1;
	v1 =	vld.idx.msk [tilespmem:v8+s20+$0x0], $0xffff  }
0x1b7: {  	[tilespmem:s2+$0xB0] =	vst v49;
	v54 =	vld.idx.msk [tilespmem:v4+s21+$0x0], $0xffff  }
0x1b8: {  	[tilespmem:s2+$0xC0] =	vst v50;
	v55 =	vld.idx.msk [tilespmem:v5+s21+$0x0], $0xffff  }
0x1b9: {  	[tilespmem:s2+$0xE0] =	vst v51;
	v56 =	vld.idx.msk [tilespmem:v7+s21+$0x0], $0xffff  }
0x1ba: {  	v58 =	vld.idx.msk [tilespmem:v10+s21+$0x0], $0xffff;
	[tilespmem:s2+$0xFFFFFF00] =	vst v22  }
0x1bb: {  	[tilespmem:s2+$0xFFFFFEF0] =	vst v1;
	v1 =	vld.idx.msk [tilespmem:v15+s20+$0x0], $0xffff  }
0x1bc: {  	v59 =	vld.idx.msk [tilespmem:v11+s21+$0x0], $0xffff;
	[tilespmem:s2+$0xFFFFFF20] =	vst v53  }
0x1bd: {  	[tilespmem:s2+$0xFFFFFF30] =	vst v54;
	v52 =	vld.idx.msk [tilespmem:v2+s21+$0x0], $0xffff  }
0x1be: {  	v60 =	vld.idx.msk [tilespmem:v12+s21+$0x0], $0xffff;
	[tilespmem:s2+$0xFFFFFF40] =	vst v55  }
0x1bf: {  	v61 =	vld.idx.msk [tilespmem:v14+s21+$0x0], $0xffff;
	[tilespmem:s2+$0xFFFFFF60] =	vst v56  }
0x1c0: {  	[tilespmem:s2+$0xD0] =	vst v1;
	v1 =	vld.idx.msk [tilespmem:v6+s21+$0x0], $0xffff  }
0x1c1: {  	v63 =	vld.idx.msk [tilespmem:v16+s21+$0x0], $0xffff;
	[tilespmem:s2+$0x100] =	vst v58  }
0x1c2: {  	[tilespmem:s2+$0xFFFFFF10] =	vst v52;
	v57 =	vld.idx.msk [tilespmem:v8+s21+$0x0], $0xffff  }
0x1c3: {  	[tilespmem:s2+$0x110] =	vst v59;
	v2 =	vld.idx.msk [tilespmem:v2+s22+$0x0], $0xffff  }
0x1c4: {  	[tilespmem:s2+$0x120] =	vst v60;
	v17 =	vld.idx.msk [tilespmem:v17+s22+$0x0], $0xffff  }
0x1c5: {  	[tilespmem:s2+$0xFFFFFF50] =	vst v1;
	v1 =	vld.idx.msk [tilespmem:v13+s21+$0x0], $0xffff  }
0x1c6: {  	[tilespmem:s2+$0x140] =	vst v61;
	v3 =	vld.idx.msk [tilespmem:v3+s22+$0x0], $0xffff  }
0x1c7: {  	[tilespmem:s2+$0xFFFFFF70] =	vst v57;
	v62 =	vld.idx.msk [tilespmem:v15+s21+$0x0], $0xffff  }
0x1c8: {  	[tilespmem:s2+$0xFFFFFF90] =	vst v2;
	v2 =	vld.idx.msk [tilespmem:v8+s22+$0x0], $0xffff  }
0x1c9: {  	[tilespmem:s2+$0x160] =	vst v63;
	v7 =	vld.idx.msk [tilespmem:v7+s22+$0x0], $0xffff  }
0x1ca: {  	[tilespmem:s2+$0x130] =	vst v1;
	v1 =	vld.idx.msk [tilespmem:v4+s22+$0x0], $0xffff  }
0x1cb: {  	[tilespmem:s2+$0xFFFFFF80] =	vst v17;
	v4 =	vld.idx.msk [tilespmem:v5+s22+$0x0], $0xffff  }
0x1cc: {  	v8 =	vld.idx.msk [tilespmem:v10+s22+$0x0], $0xffff;
	[tilespmem:s2+$0x150] =	vst v62  }
0x1cd: {  	[tilespmem:s2+$0xFFFFFFF0] =	vst v2;
	v2 =	vld.idx.msk [tilespmem:v15+s22+$0x0], $0xffff  }
0x1ce: {  	[tilespmem:s2+$0xFFFFFFA0] =	vst v3;
	v5 =	vld.idx.msk [tilespmem:v6+s22+$0x0], $0xffff  }
0x1cf: {  	[tilespmem:s2+$0xFFFFFFE0] =	vst v7;
	v6 =	vld.idx.msk [tilespmem:v11+s22+$0x0], $0xffff  }
0x1d0: {  	[tilespmem:s2+$0xFFFFFFC0] =	vst v4;
	v4 =	vld.idx.msk [tilespmem:v12+s22+$0x0], $0xffff  }
0x1d1: {  	[tilespmem:s2+$0x180] =	vst v8;
	v3 =	vld.idx.msk [tilespmem:v13+s22+$0x0], $0xffff  }
0x1d2: {  	[tilespmem:s2+$0xFFFFFFB0] =	vst v1;
	v1 =	vld.idx.msk [tilespmem:v14+s22+$0x0], $0xffff  }
0x1d3: {  	s4 =	simm.s32 $0x180;
	s3 =	simm.s32 $0x0;
	[tilespmem:s2+$0xFFFFFFD0] =	vst v5;
	v5 =	vld.idx.msk [tilespmem:v16+s22+$0x0], $0xffff  }
.LBB2_5:
0x1d4: {  	v16 =	vld [tilespmem:s4+$0x70];
	s3 =	sadd.s32 $0x10, s3;
	[tilespmem:s2+$0x190] =	vst v6  }
0x1d5: {  	v8 =	vld [tilespmem:s4+$0xFFFFFF90];
	p0 =	slt.u32 s3, $0xF0;
	[tilespmem:s2+$0x1A0] =	vst v4  }
0x1d6: {  	v11 =	vld [tilespmem:s4+$0xFFFFFFA0];
	[tilespmem:s2+$0x1B0] =	vst v3  }
0x1d7: {  	v12 =	vld [tilespmem:s4+$0xFFFFFFB0];
	[tilespmem:s2+$0x1C0] =	vst v1  }
0x1d8: {  	v13 =	vld [tilespmem:s4+$0xFFFFFFC0];
	[tilespmem:s2+$0x1D0] =	vst v2  }
0x1d9: {  	v14 =	vld [tilespmem:s4+$0xFFFFFFD0];
	[tilespmem:s2+$0x1E0] =	vst v5  }
0x1da: {  	v9 =	vld [tilespmem:s4+$0xFFFFFFE0]  }
0x1db: {  	v6 =	vld [tilespmem:s4+$0xFFFFFFF0]  }
0x1dc: {  	v5 =	vld.idx.msk [tilespmem:v16+s19+$0x0], $0xffff  }
0x1dd: {  	v10 =	vld [tilespmem:s4+$0x0]  }
0x1de: {  	v7 =	vld [tilespmem:s4+$0x10]  }
0x1df: {  	v4 =	vld [tilespmem:s4+$0x20]  }
0x1e0: {  	v3 =	vld [tilespmem:s4+$0x30]  }
0x1e1: {  	s2 =	sadd.s32 $0x400, s2;
	v1 =	vld [tilespmem:s4+$0x40]  }
0x1e2: {  	v2 =	vld [tilespmem:s4+$0x50];
	[tilespmem:s2+$0x70] =	vst v5  }
0x1e3: {  	v17 =	vld.idx.msk [tilespmem:v16+s20+$0x0], $0xffff  }
0x1e4: {  	v5 =	vld [tilespmem:s4+$0x60]  }
0x1e5: {  	v15 =	vld [tilespmem:s4+$0xFFFFFF80]  }
0x1e6: {  	v18 =	vld.idx.msk [tilespmem:v8+s19+$0x0], $0xffff  }
0x1e7: {  	v19 =	vld.idx.msk [tilespmem:v11+s19+$0x0], $0xffff  }
0x1e8: {  	v20 =	vld.idx.msk [tilespmem:v12+s19+$0x0], $0xffff  }
0x1e9: {  	v21 =	vld.idx.msk [tilespmem:v13+s19+$0x0], $0xffff;
	[tilespmem:s2+$0xF0] =	vst v17  }
0x1ea: {  	v17 =	vld.idx.msk [tilespmem:v16+s21+$0x0], $0xffff  }
0x1eb: {  	v22 =	vld.idx.msk [tilespmem:v14+s19+$0x0], $0xffff  }
0x1ec: {  	[tilespmem:s2+$0xFFFFFE10] =	vst v18;
	v18 =	vld.idx.msk [tilespmem:v9+s19+$0x0], $0xffff  }
0x1ed: {  	v23 =	vld.idx.msk [tilespmem:v15+s19+$0x0], $0xffff;
	[tilespmem:s2+$0xFFFFFE20] =	vst v19  }
0x1ee: {  	[tilespmem:s2+$0xFFFFFE30] =	vst v20;
	v19 =	vld.idx.msk [tilespmem:v6+s19+$0x0], $0xffff  }
0x1ef: {  	[tilespmem:s2+$0xFFFFFE40] =	vst v21;
	v20 =	vld.idx.msk [tilespmem:v10+s19+$0x0], $0xffff  }
0x1f0: {  	v21 =	vld.idx.msk [tilespmem:v7+s19+$0x0], $0xffff;
	[tilespmem:s2+$0x170] =	vst v17  }
0x1f1: {  	[tilespmem:s2+$0xFFFFFE50] =	vst v22;
	v16 =	vld.idx.msk [tilespmem:v16+s22+$0x0], $0xffff  }
0x1f2: {  	[tilespmem:s2+$0xFFFFFE60] =	vst v18;
	v17 =	vld.idx.msk [tilespmem:v4+s19+$0x0], $0xffff  }
0x1f3: {  	[tilespmem:s2+$0xFFFFFE00] =	vst v23;
	v18 =	vld.idx.msk [tilespmem:v3+s19+$0x0], $0xffff  }
0x1f4: {  	[tilespmem:s2+$0xFFFFFE70] =	vst v19;
	v19 =	vld.idx.msk [tilespmem:v1+s19+$0x0], $0xffff  }
0x1f5: {  	[tilespmem:s2+$0x0] =	vst v20;
	v20 =	vld.idx.msk [tilespmem:v2+s19+$0x0], $0xffff  }
0x1f6: {  	[tilespmem:s2+$0x10] =	vst v21;
	v21 =	vld.idx.msk [tilespmem:v5+s19+$0x0], $0xffff  }
0x1f7: {  	v22 =	vld.idx.msk [tilespmem:v15+s20+$0x0], $0xffff;
	[tilespmem:s2+$0x1F0] =	vst v16  }
0x1f8: {  	v16 =	vld.idx.msk [tilespmem:v8+s20+$0x0], $0xffff;
	[tilespmem:s2+$0x20] =	vst v17  }
0x1f9: {  	v17 =	vld.idx.msk [tilespmem:v11+s20+$0x0], $0xffff;
	[tilespmem:s2+$0x30] =	vst v18  }
0x1fa: {  	v18 =	vld.idx.msk [tilespmem:v12+s20+$0x0], $0xffff;
	[tilespmem:s2+$0x40] =	vst v19  }
0x1fb: {  	v19 =	vld.idx.msk [tilespmem:v13+s20+$0x0], $0xffff;
	[tilespmem:s2+$0x50] =	vst v20  }
0x1fc: {  	v20 =	vld.idx.msk [tilespmem:v14+s20+$0x0], $0xffff;
	[tilespmem:s2+$0x60] =	vst v21  }
0x1fd: {  	[tilespmem:s2+$0xFFFFFE80] =	vst v22;
	v21 =	vld.idx.msk [tilespmem:v9+s20+$0x0], $0xffff  }
0x1fe: {  	[tilespmem:s2+$0xFFFFFE90] =	vst v16;
	v16 =	vld.idx.msk [tilespmem:v6+s20+$0x0], $0xffff  }
0x1ff: {  	[tilespmem:s2+$0xFFFFFEA0] =	vst v17;
	v17 =	vld.idx.msk [tilespmem:v10+s20+$0x0], $0xffff  }
0x200: {  	[tilespmem:s2+$0xFFFFFEB0] =	vst v18;
	v18 =	vld.idx.msk [tilespmem:v7+s20+$0x0], $0xffff  }
0x201: {  	[tilespmem:s2+$0xFFFFFEC0] =	vst v19;
	v19 =	vld.idx.msk [tilespmem:v4+s20+$0x0], $0xffff  }
0x202: {  	[tilespmem:s2+$0xFFFFFED0] =	vst v20;
	v20 =	vld.idx.msk [tilespmem:v3+s20+$0x0], $0xffff  }
0x203: {  	[tilespmem:s2+$0xFFFFFEE0] =	vst v21;
	v21 =	vld.idx.msk [tilespmem:v1+s20+$0x0], $0xffff  }
0x204: {  	[tilespmem:s2+$0xFFFFFEF0] =	vst v16;
	v16 =	vld.idx.msk [tilespmem:v2+s20+$0x0], $0xffff  }
0x205: {  	[tilespmem:s2+$0x80] =	vst v17;
	v17 =	vld.idx.msk [tilespmem:v5+s20+$0x0], $0xffff  }
0x206: {  	v22 =	vld.idx.msk [tilespmem:v15+s21+$0x0], $0xffff;
	[tilespmem:s2+$0x90] =	vst v18  }
0x207: {  	v18 =	vld.idx.msk [tilespmem:v8+s21+$0x0], $0xffff;
	[tilespmem:s2+$0xA0] =	vst v19  }
0x208: {  	v19 =	vld.idx.msk [tilespmem:v11+s21+$0x0], $0xffff;
	[tilespmem:s2+$0xB0] =	vst v20  }
0x209: {  	v20 =	vld.idx.msk [tilespmem:v12+s21+$0x0], $0xffff;
	[tilespmem:s2+$0xC0] =	vst v21  }
0x20a: {  	v21 =	vld.idx.msk [tilespmem:v13+s21+$0x0], $0xffff;
	[tilespmem:s2+$0xD0] =	vst v16  }
0x20b: {  	v16 =	vld.idx.msk [tilespmem:v14+s21+$0x0], $0xffff;
	[tilespmem:s2+$0xE0] =	vst v17  }
0x20c: {  	[tilespmem:s2+$0xFFFFFF00] =	vst v22;
	v17 =	vld.idx.msk [tilespmem:v9+s21+$0x0], $0xffff  }
0x20d: {  	[tilespmem:s2+$0xFFFFFF10] =	vst v18;
	v18 =	vld.idx.msk [tilespmem:v6+s21+$0x0], $0xffff  }
0x20e: {  	[tilespmem:s2+$0xFFFFFF20] =	vst v19;
	v19 =	vld.idx.msk [tilespmem:v10+s21+$0x0], $0xffff  }
0x20f: {  	[tilespmem:s2+$0xFFFFFF30] =	vst v20;
	v20 =	vld.idx.msk [tilespmem:v7+s21+$0x0], $0xffff  }
0x210: {  	[tilespmem:s2+$0xFFFFFF40] =	vst v21;
	v21 =	vld.idx.msk [tilespmem:v4+s21+$0x0], $0xffff  }
0x211: {  	[tilespmem:s2+$0xFFFFFF50] =	vst v16;
	v16 =	vld.idx.msk [tilespmem:v3+s21+$0x0], $0xffff  }
0x212: {  	[tilespmem:s2+$0xFFFFFF60] =	vst v17;
	v17 =	vld.idx.msk [tilespmem:v1+s21+$0x0], $0xffff  }
0x213: {  	[tilespmem:s2+$0xFFFFFF70] =	vst v18;
	v18 =	vld.idx.msk [tilespmem:v2+s21+$0x0], $0xffff  }
0x214: {  	[tilespmem:s2+$0x100] =	vst v19;
	v19 =	vld.idx.msk [tilespmem:v5+s21+$0x0], $0xffff  }
0x215: {  	v15 =	vld.idx.msk [tilespmem:v15+s22+$0x0], $0xffff;
	[tilespmem:s2+$0x110] =	vst v20  }
0x216: {  	v8 =	vld.idx.msk [tilespmem:v8+s22+$0x0], $0xffff;
	[tilespmem:s2+$0x120] =	vst v21  }
0x217: {  	v11 =	vld.idx.msk [tilespmem:v11+s22+$0x0], $0xffff;
	[tilespmem:s2+$0x130] =	vst v16  }
0x218: {  	v12 =	vld.idx.msk [tilespmem:v12+s22+$0x0], $0xffff;
	[tilespmem:s2+$0x140] =	vst v17  }
0x219: {  	v13 =	vld.idx.msk [tilespmem:v13+s22+$0x0], $0xffff;
	[tilespmem:s2+$0x150] =	vst v18  }
0x21a: {  	v14 =	vld.idx.msk [tilespmem:v14+s22+$0x0], $0xffff;
	[tilespmem:s2+$0x160] =	vst v19  }
0x21b: {  	[tilespmem:s2+$0xFFFFFF80] =	vst v15;
	v9 =	vld.idx.msk [tilespmem:v9+s22+$0x0], $0xffff  }
0x21c: {  	[tilespmem:s2+$0xFFFFFF90] =	vst v8;
	v8 =	vld.idx.msk [tilespmem:v6+s22+$0x0], $0xffff  }
0x21d: {  	[tilespmem:s2+$0xFFFFFFA0] =	vst v11;
	v10 =	vld.idx.msk [tilespmem:v10+s22+$0x0], $0xffff  }
0x21e: {  	[tilespmem:s2+$0xFFFFFFB0] =	vst v12;
	v6 =	vld.idx.msk [tilespmem:v7+s22+$0x0], $0xffff  }
.Ltmp1:
0x21f: {  	[tilespmem:s2+$0xFFFFFFC0] =	vst v13;
	v4 =	vld.idx.msk [tilespmem:v4+s22+$0x0], $0xffff;
	(pc) =	sbr.rel @p0 .LBB2_5-.Ltmp1, $4  }
0x220: {  	[tilespmem:s2+$0xFFFFFFD0] =	vst v14;
	v3 =	vld.idx.msk [tilespmem:v3+s22+$0x0], $0xffff  }
0x221: {  	[tilespmem:s2+$0xFFFFFFE0] =	vst v9;
	v1 =	vld.idx.msk [tilespmem:v1+s22+$0x0], $0xffff  }
0x222: {  	[tilespmem:s2+$0xFFFFFFF0] =	vst v8;
	v2 =	vld.idx.msk [tilespmem:v2+s22+$0x0], $0xffff  }
0x223: {  	s4 =	sadd.s32 $0x100, s4;
	[tilespmem:s2+$0x180] =	vst v10;
	v5 =	vld.idx.msk [tilespmem:v5+s22+$0x0], $0xffff  }
0x224: {  	[tilespmem:s2+$0x190] =	vst v6;
	s31 =	sadd.s32 $0x1, s31  }
0x225: {  	[tilespmem:s2+$0x1A0] =	vst v4;
	p0 =	sne.s32 s31, $0x10  }
.Ltmp2:
0x226: {  	[tilespmem:s2+$0x1B0] =	vst v3;
	(pc) =	sbr.rel @p0 .LBB2_2-.Ltmp2, $4  }
0x227: {  	s0 =	sshll.u32 s0, $0x9;
	[tilespmem:s2+$0x1C0] =	vst v1  }
0x228: {  	s0 =	sand.u32 $0x1FF000, s0;
	[tilespmem:s2+$0x1D0] =	vst v2  }
0x229: {  	s0 =	sadd.s32 s0, s8;
	[tilespmem:s2+$0x1E0] =	vst v5  }
0x22a: {  	[hbm4b:s0+s23] =	stream.strided.scatter [tilespmem:s26], [sflag:$0x4], $0x4000, s12, s23, $0x38;
	[tilespmem:$0x19000] =	vst v63  }
0x22b: {  	s0 =	simm.s32 $0x3  }
0x22c: {  	_ =	swait.ge [sflag:s0], $0x4000  }
0x22d: {  	[sflag:s0] =	ssyncset.done $0x0  }
0x22e: {  	[sflag:s0] =	ssyncadd.s32 $0xFFFFC000  }
0x22f: {  	_ =	swait.ge [sflag:s29], $0x4000  }
0x230: {  	s30 =	sadd.s32 $0x1, s30;
	s31 =	rddreg [dreg:$0x4]  }
0x231: {  	p0 =	sne.s32 s30, s31  }
.Ltmp3:
0x232: {  	_ = 	snop;
	(pc) =	sbr.rel @p0 .LBB2_1-.Ltmp3, $3  }
0x233: {  	_ =	sdelay $0x1  }
0x234: {  	[sflag:s29] =	ssyncset.done $0x0  }
0x235: {  	[sflag:s29] =	ssyncadd.s32 $0xFFFFC000  }
0x236: {  	_ =	sfence.sel $0x180000  }
0x237: {  	[bflag:$0x0] =	sbarrier.arrive $0xFFFF  }
0x238: {  	_ =	strace $0x90000047  }
0x239: {  	s0 =	stileid.u32;
	[bflag:$0x2] =	sbarrier.arrive $0xFFFF  }
0x23a: {  	p0 =	sne.s32 s0, $0x0;
	s0 =	rddreg [dreg:$0x3]  }
0x23b: {  	s0 =	sadd.s32 @!p0 $0x100000, s0  }
0x23c: {  	[sflag:s0] =	ssyncadd.tile.s32 @!p0 $0x1;
	_ =	shalt  }
.Lfunc_end2:
_tile_overlayer_lowered:
.L_overlay_start_2:
0x23d: {  	(tag) =	ssettag $0x2  }
0x23e: {  	s0 =	rddreg [dreg:$0x0];
	s2 =	stileid.u32  }
0x23f: {  	s1 =	rddreg [dreg:$0x1];
	p0 =	sne.s32 s2, $0x0  }
0x240: {  	s3 =	rddreg [dreg:$0x2];
	[bflag:$0x3] =	sbarrier.arrive $0xFFFF;
	s2 =	simm.s32 @!p0 $0x1C05  }
0x241: {  	[timem:s3], [sflag:s2] =	dma.local @!p0 [hbm:s0], s1  }
0x242: {  	s0 =	simm.s32 @!p0 $0x5  }
0x243: {  	_ =	swait.ge @!p0 [sflag:s0], s1  }
0x244: {  	s1 =	ssub.s32 @!p0 $0x0, s1;
	[sflag:s0] =	ssyncset.done @!p0 $0x0  }
0x245: {  	[sflag:s0] =	ssyncadd.s32 @!p0 s1  }
0x246: {  	[bflag:$0x3] =	sbarrier.arrive $0xFFFF  }
0x247: {  	_ =	shalt  }

</sc_bundles>
